<compile_context>
chip_gen: v7x
topology: tpu7x:2x2x1
jax: 0.10.2.dev20260603
libtpu: 0.0.44.dev20260713+nightly
codegen_flags: <defaults>
</compile_context>

<pallas_src>
import dataclasses
import functools

import jax
import jax.numpy as jnp
from jax import lax
from jax.experimental import pallas as pl
from jax.experimental.pallas import tpu as pltpu
from jax.experimental.pallas import tpu_sc as plsc

N_NODES = 10000
N_EDGES = 320000
D_FEAT = 128

NC = 2
NS = 16
NW = NC * NS
L = 16

EPW = N_EDGES // NW
BLK = 80
NB = EPW // BLK

_vector_mesh = plsc.VectorSubcoreMesh(core_axis_name="c", subcore_axis_name="s")

_sc_params = pltpu.CompilerParams()
if "needs_layout_passes" in pltpu.CompilerParams.__dataclass_fields__:
    _sc_params = dataclasses.replace(_sc_params, needs_layout_passes=False)


@functools.partial(
    pl.kernel,
    out_type=[
        jax.ShapeDtypeStruct((NW, N_NODES), jnp.float32),
        jax.ShapeDtypeStruct((NW, N_NODES), jnp.float32),
    ],
    mesh=_vector_mesh,
    scratch_types=[
        pltpu.VMEM((EPW,), jnp.int32),
        pltpu.VMEM((N_NODES,), jnp.float32),
    ],
    compiler_params=_sc_params,
)
def _hist_kernel(src_hbm, dst_hbm, srch_hbm, dsth_hbm, idx_v, hist_v):
    c = lax.axis_index("c")
    s = lax.axis_index("s")
    wid = c * NS + s
    ones = jnp.ones((L,), jnp.float32)
    zeros = jnp.zeros((L,), jnp.float32)
    for in_hbm, out_hbm in ((src_hbm, srch_hbm), (dst_hbm, dsth_hbm)):
        pltpu.sync_copy(in_hbm.at[wid], idx_v)

        @pl.loop(0, N_NODES // (8 * L))
        def _(i):
            for u in range(8):
                hist_v[pl.ds(i * 8 * L + u * L, L)] = zeros

        @pl.loop(0, N_NODES // L - N_NODES // (8 * L) * 8)
        def _(i):
            hist_v[pl.ds(N_NODES // (8 * L) * 8 * L + i * L, L)] = zeros

        @pl.loop(0, EPW // (8 * L))
        def _(i):
            for u in range(8):
                idx = idx_v[pl.ds(i * 8 * L + u * L, L)]
                plsc.addupdate_scatter(hist_v, [idx], ones)

        @pl.loop(0, EPW // L - EPW // (8 * L) * 8)
        def _(i):
            idx = idx_v[pl.ds(EPW // (8 * L) * 8 * L + i * L, L)]
            plsc.addupdate_scatter(hist_v, [idx], ones)

        pltpu.sync_copy(hist_v, out_hbm.at[wid])


def _scale_body(x_ref, srch_ref, dsth_ref, h_ref, nd_ref):
    out_deg = jnp.maximum(jnp.sum(srch_ref[...], axis=0), 1.0)
    h_ref[...] = x_ref[...] * lax.rsqrt(out_deg)[:, None]
    in_deg = jnp.maximum(jnp.sum(dsth_ref[...], axis=0), 1.0)
    nd_ref[...] = lax.rsqrt(in_deg)[None, :]


_scale_kernel = pl.pallas_call(
    _scale_body,
    out_shape=[
        jax.ShapeDtypeStruct((N_NODES, D_FEAT), jnp.float32),
        jax.ShapeDtypeStruct((1, N_NODES), jnp.float32),
    ],
)


@functools.partial(
    pl.kernel,
    out_type=jax.ShapeDtypeStruct((NC, N_NODES, D_FEAT), jnp.float32),
    mesh=_vector_mesh,
    scratch_types=[
        pltpu.VMEM((EPW,), jnp.int32),
        pltpu.VMEM((NB, BLK), jnp.int32),
        pltpu.VMEM((2 * BLK, D_FEAT), jnp.float32),
        pltpu.VMEM_SHARED((N_NODES, D_FEAT), jnp.float32),
        pltpu.SemaphoreType.DMA,
        pltpu.SemaphoreType.DMA,
        pltpu.SemaphoreType.DMA,
        pltpu.SemaphoreType.DMA,
    ],
    compiler_params=_sc_params,
)
def _scatter_kernel(h_hbm, src_hbm, dst_hbm, out_hbm, src_v, dst_v, ring_v,
                    agg_sh, sem0, sem1, sem2, sem3):
    c = lax.axis_index("c")
    s = lax.axis_index("s")
    wid = c * NS + s
    zeros = jnp.zeros((L,), jnp.float32)

    src_cp = pltpu.make_async_copy(src_hbm.at[wid], src_v, sem0)
    dst_cp = pltpu.make_async_copy(dst_hbm.at[wid], dst_v, sem0)
    src_cp.start()
    dst_cp.start()

    @pl.loop(0, 2 * BLK)
    def _(r):
        @pl.loop(0, D_FEAT // L)
        def _(k):
            ring_v[r, pl.ds(k * L, L)] = zeros

    zsrc = ring_v.at[pl.ds(0, BLK)]

    @pl.loop(0, (NB + NS - 1) // NS)
    def _(m):
        chunk = s + m * NS

        @pl.when(chunk < NB)
        def _():
            pltpu.sync_copy(zsrc, agg_sh.at[pl.ds(chunk * BLK, BLK)])

    src_cp.wait()
    dst_cp.wait()
    plsc.subcore_barrier()

    GB = BLK // 2
    q0 = ring_v.at[pl.ds(0, GB)]
    q1 = ring_v.at[pl.ds(GB, GB)]
    q2 = ring_v.at[pl.ds(2 * GB, GB)]
    q3 = ring_v.at[pl.ds(3 * GB, GB)]
    lo = ring_v.at[pl.ds(0, BLK)]
    hi = ring_v.at[pl.ds(BLK, BLK)]

    def g_cp(g, q, sem):
        return pltpu.make_async_copy(
            h_hbm.at[src_v.at[pl.ds(g * GB, GB)]], q, sem)

    g_cp(0, q0, sem0).start()
    g_cp(1, q1, sem1).start()
    g_cp(2, q2, sem2).start()
    g_cp(3, q3, sem3).start()

    @pl.loop(0, NB // 2)
    def _(t):
        j0 = 2 * t
        g0 = 4 * t
        g_cp(g0, q0, sem0).wait()
        g_cp(g0 + 1, q1, sem1).wait()
        pltpu.sync_copy(lo, agg_sh.at[dst_v.at[j0]], add=True)
        g_cp(g0 + 4, q0, sem0).start()
        g_cp(g0 + 5, q1, sem1).start()
        g_cp(g0 + 2, q2, sem2).wait()
        g_cp(g0 + 3, q3, sem3).wait()
        pltpu.sync_copy(hi, agg_sh.at[dst_v.at[j0 + 1]], add=True)

        @pl.when(t < NB // 2 - 1)
        def _():
            g_cp(g0 + 6, q2, sem2).start()
            g_cp(g0 + 7, q3, sem3).start()

    g_cp(2 * (NB - 1), q0, sem0).wait()
    g_cp(2 * (NB - 1) + 1, q1, sem1).wait()
    pltpu.sync_copy(lo, agg_sh.at[dst_v.at[NB - 1]], add=True)

    plsc.subcore_barrier()

    @pl.loop(0, (NB + NS - 1) // NS)
    def _(m):
        chunk = s + m * NS

        @pl.when(chunk < NB)
        def _():
            pltpu.sync_copy(agg_sh.at[pl.ds(chunk * BLK, BLK)],
                            out_hbm.at[c, pl.ds(chunk * BLK, BLK)])


def _combine_body(aggp_ref, nd_ref, out_ref):
    agg = aggp_ref[0] + aggp_ref[1]
    out_ref[...] = agg * nd_ref[0][:, None]


_combine_kernel = pl.pallas_call(
    _combine_body,
    out_shape=jax.ShapeDtypeStruct((N_NODES, D_FEAT), jnp.float32),
)


def kernel(x, edge_index):
    src = edge_index[0].reshape(NW, EPW)
    dst = edge_index[1].reshape(NW, EPW)
    dst_b = edge_index[1].reshape(NW, NB, BLK)
    srch, dsth = _hist_kernel(src, dst)
    h, nd = _scale_kernel(x, srch, dsth)
    aggp = _scatter_kernel(h, src, dst_b)
    return _combine_kernel(aggp, nd)

# --- scband reference (transcript-rebuilt; emitter-appended) ---
"""Pipeline reference for scband-gcn-76201309766176 (READ-ONLY COPY).

The authoritative reference and input builder live on the scoring server;
editing this copy changes nothing except your own understanding.
"""

import jax, jax.numpy as jnp
import numpy as np

N_NODES = 10000
N_EDGES = 320000
D_FEAT = 128

def setup_inputs(seed: int = 0) -> dict:
    key = jax.random.key(seed)
    k1, k2 = jax.random.split(key)
    x = jax.random.normal(k1, (N_NODES, D_FEAT), dtype=jnp.float32)
    edge_index = jax.random.randint(k2, (2, N_EDGES), 0, N_NODES, dtype=jnp.int64 if jax.config.jax_enable_x64 else jnp.int32).astype(jnp.int32)
    return {"x": x, "edge_index": edge_index}

def reference(x, edge_index):
    # DGL GraphConv(weight=False, bias=False, norm='both', allow_zero_in_degree=True)
    # out = D_in^{-1/2} * A * D_out^{-1/2} * x  (degrees clamped to min 1)
    src = edge_index[0]
    dst = edge_index[1]
    ones = jnp.ones((src.shape[0],), dtype=x.dtype)
    out_deg = jax.ops.segment_sum(ones, src, num_segments=N_NODES)
    out_deg = jnp.clip(out_deg, 1.0, None)
    norm_src = jnp.power(out_deg, -0.5)
    h = x * norm_src[:, None]
    msg = jnp.take(h, src, axis=0)
    agg = jax.ops.segment_sum(msg, dst, num_segments=N_NODES)
    in_deg = jax.ops.segment_sum(ones, dst, num_segments=N_NODES)
    in_deg = jnp.clip(in_deg, 1.0, None)
    norm_dst = jnp.power(in_deg, -0.5)
    rst = agg * norm_dst[:, None]
    return rst

if __name__ == "__main__":
    import jax
    _d = setup_inputs()
    print(jax.jit(kernel)(*tuple(_d.values())))

</pallas_src>

<mosaic_0001>
#map = affine_map<(d0, d1) -> (0, 0)>
#map1 = affine_map<(d0, d1) -> (0, 0, 0)>
module attributes {stable_mosaic.version = 14 : i64} {
  func.func @_scatter_kernel(%arg0: i32, %arg1: i32, %arg2: memref<10000x128xf32, #tpu.memory_space<hbm>>, %arg3: memref<32x10000xi32, #tpu.memory_space<hbm>>, %arg4: memref<32x125x80xi32, #tpu.memory_space<hbm>>, %arg5: memref<2x10000x128xf32, #tpu.memory_space<hbm>>, %arg6: memref<10000xi32, #tpu.memory_space<vmem>>, %arg7: memref<125x80xi32, #tpu.memory_space<vmem>>, %arg8: memref<160x128xf32, #tpu.memory_space<vmem>>, %arg9: memref<10000x128xf32, #tpu.memory_space<vmem_shared>>, %arg10: memref<!tpu.dma_semaphore, #tpu.memory_space<semaphore_mem>>, %arg11: memref<!tpu.dma_semaphore, #tpu.memory_space<semaphore_mem>>, %arg12: memref<!tpu.dma_semaphore, #tpu.memory_space<semaphore_mem>>, %arg13: memref<!tpu.dma_semaphore, #tpu.memory_space<semaphore_mem>>) attributes {dimension_semantics = [#tpu.dimension_semantics<core_parallel>, #tpu.dimension_semantics<subcore_parallel>], iteration_bounds = array<i64: 2, 16>, scalar_prefetch = 0 : i64, scratch_operands = 8 : i64, tpu.core_type = #tpu.core_type<sc_vector_subcore>, window_params = [{transform_indices = #map}, {transform_indices = #map}, {transform_indices = #map1}, {transform_indices = #map1}]} {
    %mul3A = arith.constant 16 : i32
    %mul3A_0 = arith.muli %arg0, %mul3A : i32
    %add3A = arith.addi %mul3A_0, %arg1 : i32
    %broadcast_in_dim3A = arith.constant 0.000000e+00 : f32
    %broadcast_in_dim3A_1 = vector.broadcast %broadcast_in_dim3A : f32 to vector<16xf32>
    %dma_start3A = arith.constant 0 : i32
    %dma_start3A_2 = tpu.memref_slice %arg3[%add3A, %dma_start3A] : memref<32x10000xi32, #tpu.memory_space<hbm>> -> memref<1x10000xi32, #tpu.memory_space<hbm>>
    %dma_start3A_3 = tpu.memref_squeeze %dma_start3A_2 : memref<1x10000xi32, #tpu.memory_space<hbm>> -> memref<10000xi32, #tpu.memory_space<hbm>>
    %dma_start3A_4 = arith.constant 0 : i32
    %dma_start3A_5 = tpu.memref_slice %arg3[%add3A, %dma_start3A_4] : memref<32x10000xi32, #tpu.memory_space<hbm>> -> memref<1x10000xi32, #tpu.memory_space<hbm>>
    %dma_start3A_6 = tpu.memref_squeeze %dma_start3A_5 : memref<1x10000xi32, #tpu.memory_space<hbm>> -> memref<10000xi32, #tpu.memory_space<hbm>>
    tpu.enqueue_dma source(%dma_start3A_6 : memref<10000xi32, #tpu.memory_space<hbm>>) target(%arg6 : memref<10000xi32, #tpu.memory_space<vmem>>) target_semaphore(%arg10 : memref<!tpu.dma_semaphore, #tpu.memory_space<semaphore_mem>>)
    %dma_start3A_7 = arith.constant 0 : i32
    %dma_start3A_8 = arith.constant 0 : i32
    %dma_start3A_9 = tpu.memref_slice %arg4[%add3A, %dma_start3A_7, %dma_start3A_8] : memref<32x125x80xi32, #tpu.memory_space<hbm>> -> memref<1x125x80xi32, #tpu.memory_space<hbm>>
    %dma_start3A_10 = tpu.memref_squeeze %dma_start3A_9 : memref<1x125x80xi32, #tpu.memory_space<hbm>> -> memref<125x80xi32, #tpu.memory_space<hbm>>
    %dma_start3A_11 = arith.constant 0 : i32
    %dma_start3A_12 = arith.constant 0 : i32
    %dma_start3A_13 = tpu.memref_slice %arg4[%add3A, %dma_start3A_11, %dma_start3A_12] : memref<32x125x80xi32, #tpu.memory_space<hbm>> -> memref<1x125x80xi32, #tpu.memory_space<hbm>>
    %dma_start3A_14 = tpu.memref_squeeze %dma_start3A_13 : memref<1x125x80xi32, #tpu.memory_space<hbm>> -> memref<125x80xi32, #tpu.memory_space<hbm>>
    tpu.enqueue_dma source(%dma_start3A_14 : memref<125x80xi32, #tpu.memory_space<hbm>>) target(%arg7 : memref<125x80xi32, #tpu.memory_space<vmem>>) target_semaphore(%arg10 : memref<!tpu.dma_semaphore, #tpu.memory_space<semaphore_mem>>)
    %scan3A = arith.constant 0 : i32
    %scan3A_15 = arith.constant 160 : i32
    %scan3A_16 = arith.addi %scan3A, %scan3A_15 : i32
    %scan3A_17 = arith.constant 1 : i32
    scf.for %scan3A_96 = %scan3A to %scan3A_16 step %scan3A_17  : i32 {
      %mul3A_97 = arith.constant 1 : i32
      %mul3A_98 = arith.muli %scan3A_96, %mul3A_97 : i32
      %add3A_99 = arith.constant 0 : i32
      %add3A_100 = arith.addi %add3A_99, %mul3A_98 : i32
      %scan3A_101 = arith.constant 0 : i32
      %scan3A_102 = arith.constant 8 : i32
      %scan3A_103 = arith.addi %scan3A_101, %scan3A_102 : i32
      %scan3A_104 = arith.constant 1 : i32
      scf.for %scan3A_106 = %scan3A_101 to %scan3A_103 step %scan3A_104  : i32 {
        %mul3A_107 = arith.constant 1 : i32
        %mul3A_108 = arith.muli %scan3A_106, %mul3A_107 : i32
        %add3A_109 = arith.constant 0 : i32
        %add3A_110 = arith.addi %add3A_109, %mul3A_108 : i32
        %mul3A_111 = arith.constant 16 : i32
        %mul3A_112 = arith.muli %add3A_110, %mul3A_111 : i32
        %swap3A = arith.index_cast %add3A_100 : i32 to index
        %swap3A_113 = arith.index_cast %mul3A_112 : i32 to index
        %swap3A_114 = tpu.vector_load %arg8[%swap3A, %swap3A_113] {strides = array<i32>} : memref<160x128xf32, #tpu.memory_space<vmem>>, vector<16xf32>,
        tpu.vector_store %arg8[%swap3A, %swap3A_113], %broadcast_in_dim3A_1 {strides = array<i32>} : memref<160x128xf32, #tpu.memory_space<vmem>>, vector<16xf32>,
      }
      %scan3A_105 = arith.constant 8 : i32
    }
    %scan3A_18 = arith.constant 160 : i32
    %scan3A_19 = arith.constant 0 : i32
    %scan3A_20 = arith.constant 8 : i32
    %scan3A_21 = arith.addi %scan3A_19, %scan3A_20 : i32
    %scan3A_22 = arith.constant 1 : i32
    scf.for %scan3A_96 = %scan3A_19 to %scan3A_21 step %scan3A_22  : i32 {
      %mul3A_97 = arith.constant 1 : i32
      %mul3A_98 = arith.muli %scan3A_96, %mul3A_97 : i32
      %add3A_99 = arith.constant 0 : i32
      %add3A_100 = arith.addi %add3A_99, %mul3A_98 : i32
      %mul3A_101 = arith.constant 16 : i32
      %mul3A_102 = arith.muli %add3A_100, %mul3A_101 : i32
      %add3A_103 = arith.addi %arg1, %mul3A_102 : i32
      %lt3A = arith.constant 125 : i32
      %lt3A_104 = arith.cmpi slt, %add3A_103, %lt3A : i32
      %convert_element_type3A = arith.extui %lt3A_104 : i1 to i32
      %cond3A = arith.constant 0 : i32
      %cond3A_105 = arith.cmpi ne, %convert_element_type3A, %cond3A : i32
      scf.if %cond3A_105 {
        %mul3A_106 = arith.constant 80 : i32
        %mul3A_107 = arith.muli %add3A_103, %mul3A_106 : i32
        "tpu.region"() ({
          %run_scoped3A_108 = tpu.sem_alloc : memref<!tpu.dma_semaphore, #tpu.memory_space<semaphore_mem>>
          %dma_start3A_109 = arith.constant 0 : i32
          %dma_start3A_110 = arith.constant 0 : i32
          %dma_start3A_111 = tpu.memref_slice %arg8[%dma_start3A_109, %dma_start3A_110] : memref<160x128xf32, #tpu.memory_space<vmem>> -> memref<80x128xf32, #tpu.memory_space<vmem>>
          %dma_start3A_112 = arith.constant 0 : i32
          %dma_start3A_113 = tpu.memref_slice %arg9[%mul3A_107, %dma_start3A_112] : memref<10000x128xf32, #tpu.memory_space<vmem_shared>> -> memref<80x128xf32, #tpu.memory_space<vmem_shared>>
          %dma_start3A_114 = arith.constant 0 : i32
          %dma_start3A_115 = tpu.memref_slice %arg9[%mul3A_107, %dma_start3A_114] : memref<10000x128xf32, #tpu.memory_space<vmem_shared>> -> memref<80x128xf32, #tpu.memory_space<vmem_shared>>
          %dma_start3A_116 = arith.constant 0 : i32
          %dma_start3A_117 = arith.constant 0 : i32
          %dma_start3A_118 = tpu.memref_slice %arg8[%dma_start3A_116, %dma_start3A_117] : memref<160x128xf32, #tpu.memory_space<vmem>> -> memref<80x128xf32, #tpu.memory_space<vmem>>
          tpu.enqueue_dma source(%dma_start3A_118 : memref<80x128xf32, #tpu.memory_space<vmem>>) target(%dma_start3A_115 : memref<80x128xf32, #tpu.memory_space<vmem_shared>>) target_semaphore(%run_scoped3A_108 : memref<!tpu.dma_semaphore, #tpu.memory_space<semaphore_mem>>)
          %dma_wait3A_119 = arith.constant 0 : i32
          %dma_wait3A_120 = arith.constant 0 : i32
          %dma_wait3A_121 = tpu.memref_slice %arg8[%dma_wait3A_119, %dma_wait3A_120] : memref<160x128xf32, #tpu.memory_space<vmem>> -> memref<80x128xf32, #tpu.memory_space<vmem>>
          %dma_wait3A_122 = arith.constant 0 : i32
          %dma_wait3A_123 = tpu.memref_slice %arg9[%mul3A_107, %dma_wait3A_122] : memref<10000x128xf32, #tpu.memory_space<vmem_shared>> -> memref<80x128xf32, #tpu.memory_space<vmem_shared>>
          %dma_wait3A_124 = arith.constant 0 : i32
          %dma_wait3A_125 = tpu.memref_slice %arg9[%mul3A_107, %dma_wait3A_124] : memref<10000x128xf32, #tpu.memory_space<vmem_shared>> -> memref<80x128xf32, #tpu.memory_space<vmem_shared>>
          %dma_wait3A_126 = arith.constant 0 : i32
          %dma_wait3A_127 = arith.constant 0 : i32
          %dma_wait3A_128 = tpu.memref_slice %arg8[%dma_wait3A_126, %dma_wait3A_127] : memref<160x128xf32, #tpu.memory_space<vmem>> -> memref<80x128xf32, #tpu.memory_space<vmem>>
          tpu.wait_dma2 semaphore(%run_scoped3A_108 : memref<!tpu.dma_semaphore, #tpu.memory_space<semaphore_mem>>) src(%dma_wait3A_128 : memref<80x128xf32, #tpu.memory_space<vmem>>) dst(%dma_wait3A_125 : memref<80x128xf32, #tpu.memory_space<vmem_shared>>)
          tpu.yield
        }) : () -> ()
      } else {
      }
    }
    %scan3A_23 = arith.constant 8 : i32
    %dma_wait3A = arith.constant 0 : i32
    %dma_wait3A_24 = tpu.memref_slice %arg3[%add3A, %dma_wait3A] : memref<32x10000xi32, #tpu.memory_space<hbm>> -> memref<1x10000xi32, #tpu.memory_space<hbm>>
    %dma_wait3A_25 = tpu.memref_squeeze %dma_wait3A_24 : memref<1x10000xi32, #tpu.memory_space<hbm>> -> memref<10000xi32, #tpu.memory_space<hbm>>
    %dma_wait3A_26 = arith.constant 0 : i32
    %dma_wait3A_27 = tpu.memref_slice %arg3[%add3A, %dma_wait3A_26] : memref<32x10000xi32, #tpu.memory_space<hbm>> -> memref<1x10000xi32, #tpu.memory_space<hbm>>
    %dma_wait3A_28 = tpu.memref_squeeze %dma_wait3A_27 : memref<1x10000xi32, #tpu.memory_space<hbm>> -> memref<10000xi32, #tpu.memory_space<hbm>>
    tpu.wait_dma2 semaphore(%arg10 : memref<!tpu.dma_semaphore, #tpu.memory_space<semaphore_mem>>) src(%dma_wait3A_28 : memref<10000xi32, #tpu.memory_space<hbm>>) dst(%arg6 : memref<10000xi32, #tpu.memory_space<vmem>>)
    %dma_wait3A_29 = arith.constant 0 : i32
    %dma_wait3A_30 = arith.constant 0 : i32
    %dma_wait3A_31 = tpu.memref_slice %arg4[%add3A, %dma_wait3A_29, %dma_wait3A_30] : memref<32x125x80xi32, #tpu.memory_space<hbm>> -> memref<1x125x80xi32, #tpu.memory_space<hbm>>
    %dma_wait3A_32 = tpu.memref_squeeze %dma_wait3A_31 : memref<1x125x80xi32, #tpu.memory_space<hbm>> -> memref<125x80xi32, #tpu.memory_space<hbm>>
    %dma_wait3A_33 = arith.constant 0 : i32
    %dma_wait3A_34 = arith.constant 0 : i32
    %dma_wait3A_35 = tpu.memref_slice %arg4[%add3A, %dma_wait3A_33, %dma_wait3A_34] : memref<32x125x80xi32, #tpu.memory_space<hbm>> -> memref<1x125x80xi32, #tpu.memory_space<hbm>>
    %dma_wait3A_36 = tpu.memref_squeeze %dma_wait3A_35 : memref<1x125x80xi32, #tpu.memory_space<hbm>> -> memref<125x80xi32, #tpu.memory_space<hbm>>
    tpu.wait_dma2 semaphore(%arg10 : memref<!tpu.dma_semaphore, #tpu.memory_space<semaphore_mem>>) src(%dma_wait3A_36 : memref<125x80xi32, #tpu.memory_space<hbm>>) dst(%arg7 : memref<125x80xi32, #tpu.memory_space<vmem>>)
    %barrier3A = arith.constant 0 : index
    tpu.barrier barrier_id(%barrier3A)
    %dma_start3A_37 = arith.constant 0 : i32
    %dma_start3A_38 = arith.constant 0 : i32
    %dma_start3A_39 = tpu.memref_slice %arg8[%dma_start3A_37, %dma_start3A_38] : memref<160x128xf32, #tpu.memory_space<vmem>> -> memref<40x128xf32, #tpu.memory_space<vmem>>
    %dma_start3A_40 = arith.constant 0 : i32
    %dma_start3A_41 = tpu.memref_slice %arg6[%dma_start3A_40] : memref<10000xi32, #tpu.memory_space<vmem>> -> memref<40xi32, #tpu.memory_space<vmem>>
    %dma_start3A_42 = arith.constant 0 : i32
    %dma_start3A_43 = arith.constant 0 : i32
    %dma_start3A_44 = tpu.memref_slice %arg2[%dma_start3A_42, %dma_start3A_43] : memref<10000x128xf32, #tpu.memory_space<hbm>> -> memref<10000x128xf32, #tpu.memory_space<hbm>>
    tpu.enqueue_indirect_dma source(%dma_start3A_44 : memref<10000x128xf32, #tpu.memory_space<hbm>>) target(%dma_start3A_39 : memref<40x128xf32, #tpu.memory_space<vmem>>) offsets(%dma_start3A_41 : memref<40xi32, #tpu.memory_space<vmem>>) semaphore(%arg10 : memref<!tpu.dma_semaphore, #tpu.memory_space<semaphore_mem>>)
    %dma_start3A_45 = arith.constant 40 : i32
    %dma_start3A_46 = arith.constant 0 : i32
    %dma_start3A_47 = tpu.memref_slice %arg8[%dma_start3A_45, %dma_start3A_46] : memref<160x128xf32, #tpu.memory_space<vmem>> -> memref<40x128xf32, #tpu.memory_space<vmem>>
    %dma_start3A_48 = arith.constant 40 : i32
    %dma_start3A_49 = tpu.memref_slice %arg6[%dma_start3A_48] : memref<10000xi32, #tpu.memory_space<vmem>> -> memref<40xi32, #tpu.memory_space<vmem>>
    %dma_start3A_50 = arith.constant 0 : i32
    %dma_start3A_51 = arith.constant 0 : i32
    %dma_start3A_52 = tpu.memref_slice %arg2[%dma_start3A_50, %dma_start3A_51] : memref<10000x128xf32, #tpu.memory_space<hbm>> -> memref<10000x128xf32, #tpu.memory_space<hbm>>
    tpu.enqueue_indirect_dma source(%dma_start3A_52 : memref<10000x128xf32, #tpu.memory_space<hbm>>) target(%dma_start3A_47 : memref<40x128xf32, #tpu.memory_space<vmem>>) offsets(%dma_start3A_49 : memref<40xi32, #tpu.memory_space<vmem>>) semaphore(%arg11 : memref<!tpu.dma_semaphore, #tpu.memory_space<semaphore_mem>>)
    %dma_start3A_53 = arith.constant 80 : i32
    %dma_start3A_54 = arith.constant 0 : i32
    %dma_start3A_55 = tpu.memref_slice %arg8[%dma_start3A_53, %dma_start3A_54] : memref<160x128xf32, #tpu.memory_space<vmem>> -> memref<40x128xf32, #tpu.memory_space<vmem>>
    %dma_start3A_56 = arith.constant 80 : i32
    %dma_start3A_57 = tpu.memref_slice %arg6[%dma_start3A_56] : memref<10000xi32, #tpu.memory_space<vmem>> -> memref<40xi32, #tpu.memory_space<vmem>>
    %dma_start3A_58 = arith.constant 0 : i32
    %dma_start3A_59 = arith.constant 0 : i32
    %dma_start3A_60 = tpu.memref_slice %arg2[%dma_start3A_58, %dma_start3A_59] : memref<10000x128xf32, #tpu.memory_space<hbm>> -> memref<10000x128xf32, #tpu.memory_space<hbm>>
    tpu.enqueue_indirect_dma source(%dma_start3A_60 : memref<10000x128xf32, #tpu.memory_space<hbm>>) target(%dma_start3A_55 : memref<40x128xf32, #tpu.memory_space<vmem>>) offsets(%dma_start3A_57 : memref<40xi32, #tpu.memory_space<vmem>>) semaphore(%arg12 : memref<!tpu.dma_semaphore, #tpu.memory_space<semaphore_mem>>)
    %dma_start3A_61 = arith.constant 120 : i32
    %dma_start3A_62 = arith.constant 0 : i32
    %dma_start3A_63 = tpu.memref_slice %arg8[%dma_start3A_61, %dma_start3A_62] : memref<160x128xf32, #tpu.memory_space<vmem>> -> memref<40x128xf32, #tpu.memory_space<vmem>>
    %dma_start3A_64 = arith.constant 120 : i32
    %dma_start3A_65 = tpu.memref_slice %arg6[%dma_start3A_64] : memref<10000xi32, #tpu.memory_space<vmem>> -> memref<40xi32, #tpu.memory_space<vmem>>
    %dma_start3A_66 = arith.constant 0 : i32
    %dma_start3A_67 = arith.constant 0 : i32
    %dma_start3A_68 = tpu.memref_slice %arg2[%dma_start3A_66, %dma_start3A_67] : memref<10000x128xf32, #tpu.memory_space<hbm>> -> memref<10000x128xf32, #tpu.memory_space<hbm>>
    tpu.enqueue_indirect_dma source(%dma_start3A_68 : memref<10000x128xf32, #tpu.memory_space<hbm>>) target(%dma_start3A_63 : memref<40x128xf32, #tpu.memory_space<vmem>>) offsets(%dma_start3A_65 : memref<40xi32, #tpu.memory_space<vmem>>) semaphore(%arg13 : memref<!tpu.dma_semaphore, #tpu.memory_space<semaphore_mem>>)
    %scan3A_69 = arith.constant 0 : i32
    %scan3A_70 = arith.constant 62 : i32
    %scan3A_71 = arith.addi %scan3A_69, %scan3A_70 : i32
    %scan3A_72 = arith.constant 1 : i32
    scf.for %scan3A_96 = %scan3A_69 to %scan3A_71 step %scan3A_72  : i32 {
      %mul3A_97 = arith.constant 1 : i32
      %mul3A_98 = arith.muli %scan3A_96, %mul3A_97 : i32
      %add3A_99 = arith.constant 0 : i32
      %add3A_100 = arith.addi %add3A_99, %mul3A_98 : i32
      %mul3A_101 = arith.constant 2 : i32
      %mul3A_102 = arith.muli %mul3A_101, %add3A_100 : i32
      %mul3A_103 = arith.constant 4 : i32
      %mul3A_104 = arith.muli %mul3A_103, %add3A_100 : i32
      %mul3A_105 = arith.constant 40 : i32
      %mul3A_106 = arith.muli %mul3A_104, %mul3A_105 : i32
      %dma_wait3A_107 = arith.constant 0 : i32
      %dma_wait3A_108 = arith.constant 0 : i32
      %dma_wait3A_109 = tpu.memref_slice %arg8[%dma_wait3A_107, %dma_wait3A_108] : memref<160x128xf32, #tpu.memory_space<vmem>> -> memref<40x128xf32, #tpu.memory_space<vmem>>
      %dma_wait3A_110 = tpu.memref_slice %arg6[%mul3A_106] : memref<10000xi32, #tpu.memory_space<vmem>> -> memref<40xi32, #tpu.memory_space<vmem>>
      %dma_wait3A_111 = arith.constant 0 : i32
      %dma_wait3A_112 = arith.constant 0 : i32
      %dma_wait3A_113 = tpu.memref_slice %arg2[%dma_wait3A_111, %dma_wait3A_112] : memref<10000x128xf32, #tpu.memory_space<hbm>> -> memref<10000x128xf32, #tpu.memory_space<hbm>>
      tpu.wait_indirect_dma semaphore(%arg10 : memref<!tpu.dma_semaphore, #tpu.memory_space<semaphore_mem>>) src(%dma_wait3A_113 : memref<10000x128xf32, #tpu.memory_space<hbm>>) dst(%dma_wait3A_109 : memref<40x128xf32, #tpu.memory_space<vmem>>)
      %add3A_114 = arith.constant 1 : i32
      %add3A_115 = arith.addi %mul3A_104, %add3A_114 : i32
      %mul3A_116 = arith.constant 40 : i32
      %mul3A_117 = arith.muli %add3A_115, %mul3A_116 : i32
      %dma_wait3A_118 = arith.constant 40 : i32
      %dma_wait3A_119 = arith.constant 0 : i32
      %dma_wait3A_120 = tpu.memref_slice %arg8[%dma_wait3A_118, %dma_wait3A_119] : memref<160x128xf32, #tpu.memory_space<vmem>> -> memref<40x128xf32, #tpu.memory_space<vmem>>
      %dma_wait3A_121 = tpu.memref_slice %arg6[%mul3A_117] : memref<10000xi32, #tpu.memory_space<vmem>> -> memref<40xi32, #tpu.memory_space<vmem>>
      %dma_wait3A_122 = arith.constant 0 : i32
      %dma_wait3A_123 = arith.constant 0 : i32
      %dma_wait3A_124 = tpu.memref_slice %arg2[%dma_wait3A_122, %dma_wait3A_123] : memref<10000x128xf32, #tpu.memory_space<hbm>> -> memref<10000x128xf32, #tpu.memory_space<hbm>>
      tpu.wait_indirect_dma semaphore(%arg11 : memref<!tpu.dma_semaphore, #tpu.memory_space<semaphore_mem>>) src(%dma_wait3A_124 : memref<10000x128xf32, #tpu.memory_space<hbm>>) dst(%dma_wait3A_120 : memref<40x128xf32, #tpu.memory_space<vmem>>)
      "tpu.region"() ({
        %run_scoped3A_173 = tpu.sem_alloc : memref<!tpu.dma_semaphore, #tpu.memory_space<semaphore_mem>>
        %dma_start3A_174 = arith.constant 0 : i32
        %dma_start3A_175 = arith.constant 0 : i32
        %dma_start3A_176 = tpu.memref_slice %arg8[%dma_start3A_174, %dma_start3A_175] : memref<160x128xf32, #tpu.memory_space<vmem>> -> memref<80x128xf32, #tpu.memory_space<vmem>>
        %dma_start3A_177 = arith.constant 0 : i32
        %dma_start3A_178 = tpu.memref_slice %arg7[%mul3A_102, %dma_start3A_177] : memref<125x80xi32, #tpu.memory_space<vmem>> -> memref<1x80xi32, #tpu.memory_space<vmem>>
        %dma_start3A_179 = tpu.memref_squeeze %dma_start3A_178 : memref<1x80xi32, #tpu.memory_space<vmem>> -> memref<80xi32, #tpu.memory_space<vmem>>
        %dma_start3A_180 = arith.constant 0 : i32
        %dma_start3A_181 = arith.constant 0 : i32
        %dma_start3A_182 = tpu.memref_slice %arg9[%dma_start3A_180, %dma_start3A_181] : memref<10000x128xf32, #tpu.memory_space<vmem_shared>> -> memref<10000x128xf32, #tpu.memory_space<vmem_shared>>
        tpu.enqueue_indirect_dma source(%dma_start3A_176 : memref<80x128xf32, #tpu.memory_space<vmem>>) target(%dma_start3A_182 : memref<10000x128xf32, #tpu.memory_space<vmem_shared>>) offsets(%dma_start3A_179 : memref<80xi32, #tpu.memory_space<vmem>>) semaphore(%run_scoped3A_173 : memref<!tpu.dma_semaphore, #tpu.memory_space<semaphore_mem>>) {add = true}
        %dma_wait3A_183 = arith.constant 0 : i32
        %dma_wait3A_184 = arith.constant 0 : i32
        %dma_wait3A_185 = tpu.memref_slice %arg8[%dma_wait3A_183, %dma_wait3A_184] : memref<160x128xf32, #tpu.memory_space<vmem>> -> memref<80x128xf32, #tpu.memory_space<vmem>>
        %dma_wait3A_186 = arith.constant 0 : i32
        %dma_wait3A_187 = tpu.memref_slice %arg7[%mul3A_102, %dma_wait3A_186] : memref<125x80xi32, #tpu.memory_space<vmem>> -> memref<1x80xi32, #tpu.memory_space<vmem>>
        %dma_wait3A_188 = tpu.memref_squeeze %dma_wait3A_187 : memref<1x80xi32, #tpu.memory_space<vmem>> -> memref<80xi32, #tpu.memory_space<vmem>>
        %dma_wait3A_189 = arith.constant 0 : i32
        %dma_wait3A_190 = arith.constant 0 : i32
        %dma_wait3A_191 = tpu.memref_slice %arg9[%dma_wait3A_189, %dma_wait3A_190] : memref<10000x128xf32, #tpu.memory_space<vmem_shared>> -> memref<10000x128xf32, #tpu.memory_space<vmem_shared>>
        tpu.wait_indirect_dma semaphore(%run_scoped3A_173 : memref<!tpu.dma_semaphore, #tpu.memory_space<semaphore_mem>>) src(%dma_wait3A_185 : memref<80x128xf32, #tpu.memory_space<vmem>>) dst(%dma_wait3A_191 : memref<10000x128xf32, #tpu.memory_space<vmem_shared>>)
        tpu.yield
      }) : () -> ()
      %add3A_125 = arith.constant 4 : i32
      %add3A_126 = arith.addi %mul3A_104, %add3A_125 : i32
      %mul3A_127 = arith.constant 40 : i32
      %mul3A_128 = arith.muli %add3A_126, %mul3A_127 : i32
      %dma_start3A_129 = arith.constant 0 : i32
      %dma_start3A_130 = arith.constant 0 : i32
      %dma_start3A_131 = tpu.memref_slice %arg8[%dma_start3A_129, %dma_start3A_130] : memref<160x128xf32, #tpu.memory_space<vmem>> -> memref<40x128xf32, #tpu.memory_space<vmem>>
      %dma_start3A_132 = tpu.memref_slice %arg6[%mul3A_128] : memref<10000xi32, #tpu.memory_space<vmem>> -> memref<40xi32, #tpu.memory_space<vmem>>
      %dma_start3A_133 = arith.constant 0 : i32
      %dma_start3A_134 = arith.constant 0 : i32
      %dma_start3A_135 = tpu.memref_slice %arg2[%dma_start3A_133, %dma_start3A_134] : memref<10000x128xf32, #tpu.memory_space<hbm>> -> memref<10000x128xf32, #tpu.memory_space<hbm>>
      tpu.enqueue_indirect_dma source(%dma_start3A_135 : memref<10000x128xf32, #tpu.memory_space<hbm>>) target(%dma_start3A_131 : memref<40x128xf32, #tpu.memory_space<vmem>>) offsets(%dma_start3A_132 : memref<40xi32, #tpu.memory_space<vmem>>) semaphore(%arg10 : memref<!tpu.dma_semaphore, #tpu.memory_space<semaphore_mem>>)
      %add3A_136 = arith.constant 5 : i32
      %add3A_137 = arith.addi %mul3A_104, %add3A_136 : i32
      %mul3A_138 = arith.constant 40 : i32
      %mul3A_139 = arith.muli %add3A_137, %mul3A_138 : i32
      %dma_start3A_140 = arith.constant 40 : i32
      %dma_start3A_141 = arith.constant 0 : i32
      %dma_start3A_142 = tpu.memref_slice %arg8[%dma_start3A_140, %dma_start3A_141] : memref<160x128xf32, #tpu.memory_space<vmem>> -> memref<40x128xf32, #tpu.memory_space<vmem>>
      %dma_start3A_143 = tpu.memref_slice %arg6[%mul3A_139] : memref<10000xi32, #tpu.memory_space<vmem>> -> memref<40xi32, #tpu.memory_space<vmem>>
      %dma_start3A_144 = arith.constant 0 : i32
      %dma_start3A_145 = arith.constant 0 : i32
      %dma_start3A_146 = tpu.memref_slice %arg2[%dma_start3A_144, %dma_start3A_145] : memref<10000x128xf32, #tpu.memory_space<hbm>> -> memref<10000x128xf32, #tpu.memory_space<hbm>>
      tpu.enqueue_indirect_dma source(%dma_start3A_146 : memref<10000x128xf32, #tpu.memory_space<hbm>>) target(%dma_start3A_142 : memref<40x128xf32, #tpu.memory_space<vmem>>) offsets(%dma_start3A_143 : memref<40xi32, #tpu.memory_space<vmem>>) semaphore(%arg11 : memref<!tpu.dma_semaphore, #tpu.memory_space<semaphore_mem>>)
      %add3A_147 = arith.constant 2 : i32
      %add3A_148 = arith.addi %mul3A_104, %add3A_147 : i32
      %mul3A_149 = arith.constant 40 : i32
      %mul3A_150 = arith.muli %add3A_148, %mul3A_149 : i32
      %dma_wait3A_151 = arith.constant 80 : i32
      %dma_wait3A_152 = arith.constant 0 : i32
      %dma_wait3A_153 = tpu.memref_slice %arg8[%dma_wait3A_151, %dma_wait3A_152] : memref<160x128xf32, #tpu.memory_space<vmem>> -> memref<40x128xf32, #tpu.memory_space<vmem>>
      %dma_wait3A_154 = tpu.memref_slice %arg6[%mul3A_150] : memref<10000xi32, #tpu.memory_space<vmem>> -> memref<40xi32, #tpu.memory_space<vmem>>
      %dma_wait3A_155 = arith.constant 0 : i32
      %dma_wait3A_156 = arith.constant 0 : i32
      %dma_wait3A_157 = tpu.memref_slice %arg2[%dma_wait3A_155, %dma_wait3A_156] : memref<10000x128xf32, #tpu.memory_space<hbm>> -> memref<10000x128xf32, #tpu.memory_space<hbm>>
      tpu.wait_indirect_dma semaphore(%arg12 : memref<!tpu.dma_semaphore, #tpu.memory_space<semaphore_mem>>) src(%dma_wait3A_157 : memref<10000x128xf32, #tpu.memory_space<hbm>>) dst(%dma_wait3A_153 : memref<40x128xf32, #tpu.memory_space<vmem>>)
      %add3A_158 = arith.constant 3 : i32
      %add3A_159 = arith.addi %mul3A_104, %add3A_158 : i32
      %mul3A_160 = arith.constant 40 : i32
      %mul3A_161 = arith.muli %add3A_159, %mul3A_160 : i32
      %dma_wait3A_162 = arith.constant 120 : i32
      %dma_wait3A_163 = arith.constant 0 : i32
      %dma_wait3A_164 = tpu.memref_slice %arg8[%dma_wait3A_162, %dma_wait3A_163] : memref<160x128xf32, #tpu.memory_space<vmem>> -> memref<40x128xf32, #tpu.memory_space<vmem>>
      %dma_wait3A_165 = tpu.memref_slice %arg6[%mul3A_161] : memref<10000xi32, #tpu.memory_space<vmem>> -> memref<40xi32, #tpu.memory_space<vmem>>
      %dma_wait3A_166 = arith.constant 0 : i32
      %dma_wait3A_167 = arith.constant 0 : i32
      %dma_wait3A_168 = tpu.memref_slice %arg2[%dma_wait3A_166, %dma_wait3A_167] : memref<10000x128xf32, #tpu.memory_space<hbm>> -> memref<10000x128xf32, #tpu.memory_space<hbm>>
      tpu.wait_indirect_dma semaphore(%arg13 : memref<!tpu.dma_semaphore, #tpu.memory_space<semaphore_mem>>) src(%dma_wait3A_168 : memref<10000x128xf32, #tpu.memory_space<hbm>>) dst(%dma_wait3A_164 : memref<40x128xf32, #tpu.memory_space<vmem>>)
      %add3A_169 = arith.constant 1 : i32
      %add3A_170 = arith.addi %mul3A_102, %add3A_169 : i32
      "tpu.region"() ({
        %run_scoped3A_173 = tpu.sem_alloc : memref<!tpu.dma_semaphore, #tpu.memory_space<semaphore_mem>>
        %dma_start3A_174 = arith.constant 80 : i32
        %dma_start3A_175 = arith.constant 0 : i32
        %dma_start3A_176 = tpu.memref_slice %arg8[%dma_start3A_174, %dma_start3A_175] : memref<160x128xf32, #tpu.memory_space<vmem>> -> memref<80x128xf32, #tpu.memory_space<vmem>>
        %dma_start3A_177 = arith.constant 0 : i32
        %dma_start3A_178 = tpu.memref_slice %arg7[%add3A_170, %dma_start3A_177] : memref<125x80xi32, #tpu.memory_space<vmem>> -> memref<1x80xi32, #tpu.memory_space<vmem>>
        %dma_start3A_179 = tpu.memref_squeeze %dma_start3A_178 : memref<1x80xi32, #tpu.memory_space<vmem>> -> memref<80xi32, #tpu.memory_space<vmem>>
        %dma_start3A_180 = arith.constant 0 : i32
        %dma_start3A_181 = arith.constant 0 : i32
        %dma_start3A_182 = tpu.memref_slice %arg9[%dma_start3A_180, %dma_start3A_181] : memref<10000x128xf32, #tpu.memory_space<vmem_shared>> -> memref<10000x128xf32, #tpu.memory_space<vmem_shared>>
        tpu.enqueue_indirect_dma source(%dma_start3A_176 : memref<80x128xf32, #tpu.memory_space<vmem>>) target(%dma_start3A_182 : memref<10000x128xf32, #tpu.memory_space<vmem_shared>>) offsets(%dma_start3A_179 : memref<80xi32, #tpu.memory_space<vmem>>) semaphore(%run_scoped3A_173 : memref<!tpu.dma_semaphore, #tpu.memory_space<semaphore_mem>>) {add = true}
        %dma_wait3A_183 = arith.constant 80 : i32
        %dma_wait3A_184 = arith.constant 0 : i32
        %dma_wait3A_185 = tpu.memref_slice %arg8[%dma_wait3A_183, %dma_wait3A_184] : memref<160x128xf32, #tpu.memory_space<vmem>> -> memref<80x128xf32, #tpu.memory_space<vmem>>
        %dma_wait3A_186 = arith.constant 0 : i32
        %dma_wait3A_187 = tpu.memref_slice %arg7[%add3A_170, %dma_wait3A_186] : memref<125x80xi32, #tpu.memory_space<vmem>> -> memref<1x80xi32, #tpu.memory_space<vmem>>
        %dma_wait3A_188 = tpu.memref_squeeze %dma_wait3A_187 : memref<1x80xi32, #tpu.memory_space<vmem>> -> memref<80xi32, #tpu.memory_space<vmem>>
        %dma_wait3A_189 = arith.constant 0 : i32
        %dma_wait3A_190 = arith.constant 0 : i32
        %dma_wait3A_191 = tpu.memref_slice %arg9[%dma_wait3A_189, %dma_wait3A_190] : memref<10000x128xf32, #tpu.memory_space<vmem_shared>> -> memref<10000x128xf32, #tpu.memory_space<vmem_shared>>
        tpu.wait_indirect_dma semaphore(%run_scoped3A_173 : memref<!tpu.dma_semaphore, #tpu.memory_space<semaphore_mem>>) src(%dma_wait3A_185 : memref<80x128xf32, #tpu.memory_space<vmem>>) dst(%dma_wait3A_191 : memref<10000x128xf32, #tpu.memory_space<vmem_shared>>)
        tpu.yield
      }) : () -> ()
      %lt3A = arith.constant 61 : i32
      %lt3A_171 = arith.cmpi slt, %add3A_100, %lt3A : i32
      %convert_element_type3A = arith.extui %lt3A_171 : i1 to i32
      %cond3A = arith.constant 0 : i32
      %cond3A_172 = arith.cmpi ne, %convert_element_type3A, %cond3A : i32
      scf.if %cond3A_172 {
        %add3A_173 = arith.constant 6 : i32
        %add3A_174 = arith.addi %mul3A_104, %add3A_173 : i32
        %mul3A_175 = arith.constant 40 : i32
        %mul3A_176 = arith.muli %add3A_174, %mul3A_175 : i32
        %dma_start3A_177 = arith.constant 80 : i32
        %dma_start3A_178 = arith.constant 0 : i32
        %dma_start3A_179 = tpu.memref_slice %arg8[%dma_start3A_177, %dma_start3A_178] : memref<160x128xf32, #tpu.memory_space<vmem>> -> memref<40x128xf32, #tpu.memory_space<vmem>>
        %dma_start3A_180 = tpu.memref_slice %arg6[%mul3A_176] : memref<10000xi32, #tpu.memory_space<vmem>> -> memref<40xi32, #tpu.memory_space<vmem>>
        %dma_start3A_181 = arith.constant 0 : i32
        %dma_start3A_182 = arith.constant 0 : i32
        %dma_start3A_183 = tpu.memref_slice %arg2[%dma_start3A_181, %dma_start3A_182] : memref<10000x128xf32, #tpu.memory_space<hbm>> -> memref<10000x128xf32, #tpu.memory_space<hbm>>
        tpu.enqueue_indirect_dma source(%dma_start3A_183 : memref<10000x128xf32, #tpu.memory_space<hbm>>) target(%dma_start3A_179 : memref<40x128xf32, #tpu.memory_space<vmem>>) offsets(%dma_start3A_180 : memref<40xi32, #tpu.memory_space<vmem>>) semaphore(%arg12 : memref<!tpu.dma_semaphore, #tpu.memory_space<semaphore_mem>>)
        %add3A_184 = arith.constant 7 : i32
        %add3A_185 = arith.addi %mul3A_104, %add3A_184 : i32
        %mul3A_186 = arith.constant 40 : i32
        %mul3A_187 = arith.muli %add3A_185, %mul3A_186 : i32
        %dma_start3A_188 = arith.constant 120 : i32
        %dma_start3A_189 = arith.constant 0 : i32
        %dma_start3A_190 = tpu.memref_slice %arg8[%dma_start3A_188, %dma_start3A_189] : memref<160x128xf32, #tpu.memory_space<vmem>> -> memref<40x128xf32, #tpu.memory_space<vmem>>
        %dma_start3A_191 = tpu.memref_slice %arg6[%mul3A_187] : memref<10000xi32, #tpu.memory_space<vmem>> -> memref<40xi32, #tpu.memory_space<vmem>>
        %dma_start3A_192 = arith.constant 0 : i32
        %dma_start3A_193 = arith.constant 0 : i32
        %dma_start3A_194 = tpu.memref_slice %arg2[%dma_start3A_192, %dma_start3A_193] : memref<10000x128xf32, #tpu.memory_space<hbm>> -> memref<10000x128xf32, #tpu.memory_space<hbm>>
        tpu.enqueue_indirect_dma source(%dma_start3A_194 : memref<10000x128xf32, #tpu.memory_space<hbm>>) target(%dma_start3A_190 : memref<40x128xf32, #tpu.memory_space<vmem>>) offsets(%dma_start3A_191 : memref<40xi32, #tpu.memory_space<vmem>>) semaphore(%arg13 : memref<!tpu.dma_semaphore, #tpu.memory_space<semaphore_mem>>)
      } else {
      }
    }
    %scan3A_73 = arith.constant 62 : i32
    %dma_wait3A_74 = arith.constant 0 : i32
    %dma_wait3A_75 = arith.constant 0 : i32
    %dma_wait3A_76 = tpu.memref_slice %arg8[%dma_wait3A_74, %dma_wait3A_75] : memref<160x128xf32, #tpu.memory_space<vmem>> -> memref<40x128xf32, #tpu.memory_space<vmem>>
    %dma_wait3A_77 = arith.constant 9920 : i32
    %dma_wait3A_78 = tpu.memref_slice %arg6[%dma_wait3A_77] : memref<10000xi32, #tpu.memory_space<vmem>> -> memref<40xi32, #tpu.memory_space<vmem>>
    %dma_wait3A_79 = arith.constant 0 : i32
    %dma_wait3A_80 = arith.constant 0 : i32
    %dma_wait3A_81 = tpu.memref_slice %arg2[%dma_wait3A_79, %dma_wait3A_80] : memref<10000x128xf32, #tpu.memory_space<hbm>> -> memref<10000x128xf32, #tpu.memory_space<hbm>>
    tpu.wait_indirect_dma semaphore(%arg10 : memref<!tpu.dma_semaphore, #tpu.memory_space<semaphore_mem>>) src(%dma_wait3A_81 : memref<10000x128xf32, #tpu.memory_space<hbm>>) dst(%dma_wait3A_76 : memref<40x128xf32, #tpu.memory_space<vmem>>)
    %dma_wait3A_82 = arith.constant 40 : i32
    %dma_wait3A_83 = arith.constant 0 : i32
    %dma_wait3A_84 = tpu.memref_slice %arg8[%dma_wait3A_82, %dma_wait3A_83] : memref<160x128xf32, #tpu.memory_space<vmem>> -> memref<40x128xf32, #tpu.memory_space<vmem>>
    %dma_wait3A_85 = arith.constant 9960 : i32
    %dma_wait3A_86 = tpu.memref_slice %arg6[%dma_wait3A_85] : memref<10000xi32, #tpu.memory_space<vmem>> -> memref<40xi32, #tpu.memory_space<vmem>>
    %dma_wait3A_87 = arith.constant 0 : i32
    %dma_wait3A_88 = arith.constant 0 : i32
    %dma_wait3A_89 = tpu.memref_slice %arg2[%dma_wait3A_87, %dma_wait3A_88] : memref<10000x128xf32, #tpu.memory_space<hbm>> -> memref<10000x128xf32, #tpu.memory_space<hbm>>
    tpu.wait_indirect_dma semaphore(%arg11 : memref<!tpu.dma_semaphore, #tpu.memory_space<semaphore_mem>>) src(%dma_wait3A_89 : memref<10000x128xf32, #tpu.memory_space<hbm>>) dst(%dma_wait3A_84 : memref<40x128xf32, #tpu.memory_space<vmem>>)
    %run_scoped3A = arith.constant 124 : i32
    "tpu.region"() ({
      %run_scoped3A_96 = tpu.sem_alloc : memref<!tpu.dma_semaphore, #tpu.memory_space<semaphore_mem>>
      %dma_start3A_97 = arith.constant 0 : i32
      %dma_start3A_98 = arith.constant 0 : i32
      %dma_start3A_99 = tpu.memref_slice %arg8[%dma_start3A_97, %dma_start3A_98] : memref<160x128xf32, #tpu.memory_space<vmem>> -> memref<80x128xf32, #tpu.memory_space<vmem>>
      %dma_start3A_100 = arith.constant 0 : i32
      %dma_start3A_101 = tpu.memref_slice %arg7[%run_scoped3A, %dma_start3A_100] : memref<125x80xi32, #tpu.memory_space<vmem>> -> memref<1x80xi32, #tpu.memory_space<vmem>>
      %dma_start3A_102 = tpu.memref_squeeze %dma_start3A_101 : memref<1x80xi32, #tpu.memory_space<vmem>> -> memref<80xi32, #tpu.memory_space<vmem>>
      %dma_start3A_103 = arith.constant 0 : i32
      %dma_start3A_104 = arith.constant 0 : i32
      %dma_start3A_105 = tpu.memref_slice %arg9[%dma_start3A_103, %dma_start3A_104] : memref<10000x128xf32, #tpu.memory_space<vmem_shared>> -> memref<10000x128xf32, #tpu.memory_space<vmem_shared>>
      tpu.enqueue_indirect_dma source(%dma_start3A_99 : memref<80x128xf32, #tpu.memory_space<vmem>>) target(%dma_start3A_105 : memref<10000x128xf32, #tpu.memory_space<vmem_shared>>) offsets(%dma_start3A_102 : memref<80xi32, #tpu.memory_space<vmem>>) semaphore(%run_scoped3A_96 : memref<!tpu.dma_semaphore, #tpu.memory_space<semaphore_mem>>) {add = true}
      %dma_wait3A_106 = arith.constant 0 : i32
      %dma_wait3A_107 = arith.constant 0 : i32
      %dma_wait3A_108 = tpu.memref_slice %arg8[%dma_wait3A_106, %dma_wait3A_107] : memref<160x128xf32, #tpu.memory_space<vmem>> -> memref<80x128xf32, #tpu.memory_space<vmem>>
      %dma_wait3A_109 = arith.constant 0 : i32
      %dma_wait3A_110 = tpu.memref_slice %arg7[%run_scoped3A, %dma_wait3A_109] : memref<125x80xi32, #tpu.memory_space<vmem>> -> memref<1x80xi32, #tpu.memory_space<vmem>>
      %dma_wait3A_111 = tpu.memref_squeeze %dma_wait3A_110 : memref<1x80xi32, #tpu.memory_space<vmem>> -> memref<80xi32, #tpu.memory_space<vmem>>
      %dma_wait3A_112 = arith.constant 0 : i32
      %dma_wait3A_113 = arith.constant 0 : i32
      %dma_wait3A_114 = tpu.memref_slice %arg9[%dma_wait3A_112, %dma_wait3A_113] : memref<10000x128xf32, #tpu.memory_space<vmem_shared>> -> memref<10000x128xf32, #tpu.memory_space<vmem_shared>>
      tpu.wait_indirect_dma semaphore(%run_scoped3A_96 : memref<!tpu.dma_semaphore, #tpu.memory_space<semaphore_mem>>) src(%dma_wait3A_108 : memref<80x128xf32, #tpu.memory_space<vmem>>) dst(%dma_wait3A_114 : memref<10000x128xf32, #tpu.memory_space<vmem_shared>>)
      tpu.yield
    }) : () -> ()
    %barrier3A_90 = arith.constant 0 : index
    tpu.barrier barrier_id(%barrier3A_90)
    %scan3A_91 = arith.constant 0 : i32
    %scan3A_92 = arith.constant 8 : i32
    %scan3A_93 = arith.addi %scan3A_91, %scan3A_92 : i32
    %scan3A_94 = arith.constant 1 : i32
    scf.for %scan3A_96 = %scan3A_91 to %scan3A_93 step %scan3A_94  : i32 {
      %mul3A_97 = arith.constant 1 : i32
      %mul3A_98 = arith.muli %scan3A_96, %mul3A_97 : i32
      %add3A_99 = arith.constant 0 : i32
      %add3A_100 = arith.addi %add3A_99, %mul3A_98 : i32
      %mul3A_101 = arith.constant 16 : i32
      %mul3A_102 = arith.muli %add3A_100, %mul3A_101 : i32
      %add3A_103 = arith.addi %arg1, %mul3A_102 : i32
      %lt3A = arith.constant 125 : i32
      %lt3A_104 = arith.cmpi slt, %add3A_103, %lt3A : i32
      %convert_element_type3A = arith.extui %lt3A_104 : i1 to i32
      %cond3A = arith.constant 0 : i32
      %cond3A_105 = arith.cmpi ne, %convert_element_type3A, %cond3A : i32
      scf.if %cond3A_105 {
        %mul3A_106 = arith.constant 80 : i32
        %mul3A_107 = arith.muli %add3A_103, %mul3A_106 : i32
        %mul3A_108 = arith.constant 80 : i32
        %mul3A_109 = arith.muli %add3A_103, %mul3A_108 : i32
        "tpu.region"() ({
          %run_scoped3A_110 = tpu.sem_alloc : memref<!tpu.dma_semaphore, #tpu.memory_space<semaphore_mem>>
          %dma_start3A_111 = arith.constant 0 : i32
          %dma_start3A_112 = tpu.memref_slice %arg5[%arg0, %mul3A_109, %dma_start3A_111] : memref<2x10000x128xf32, #tpu.memory_space<hbm>> -> memref<1x80x128xf32, #tpu.memory_space<hbm>>
          %dma_start3A_113 = tpu.memref_squeeze %dma_start3A_112 : memref<1x80x128xf32, #tpu.memory_space<hbm>> -> memref<80x128xf32, #tpu.memory_space<hbm>>
          %dma_start3A_114 = arith.constant 0 : i32
          %dma_start3A_115 = tpu.memref_slice %arg9[%mul3A_107, %dma_start3A_114] : memref<10000x128xf32, #tpu.memory_space<vmem_shared>> -> memref<80x128xf32, #tpu.memory_space<vmem_shared>>
          tpu.enqueue_dma source(%dma_start3A_115 : memref<80x128xf32, #tpu.memory_space<vmem_shared>>) target(%dma_start3A_113 : memref<80x128xf32, #tpu.memory_space<hbm>>) target_semaphore(%run_scoped3A_110 : memref<!tpu.dma_semaphore, #tpu.memory_space<semaphore_mem>>)
          %dma_wait3A_116 = arith.constant 0 : i32
          %dma_wait3A_117 = tpu.memref_slice %arg5[%arg0, %mul3A_109, %dma_wait3A_116] : memref<2x10000x128xf32, #tpu.memory_space<hbm>> -> memref<1x80x128xf32, #tpu.memory_space<hbm>>
          %dma_wait3A_118 = tpu.memref_squeeze %dma_wait3A_117 : memref<1x80x128xf32, #tpu.memory_space<hbm>> -> memref<80x128xf32, #tpu.memory_space<hbm>>
          %dma_wait3A_119 = arith.constant 0 : i32
          %dma_wait3A_120 = tpu.memref_slice %arg9[%mul3A_107, %dma_wait3A_119] : memref<10000x128xf32, #tpu.memory_space<vmem_shared>> -> memref<80x128xf32, #tpu.memory_space<vmem_shared>>
          tpu.wait_dma2 semaphore(%run_scoped3A_110 : memref<!tpu.dma_semaphore, #tpu.memory_space<semaphore_mem>>) src(%dma_wait3A_120 : memref<80x128xf32, #tpu.memory_space<vmem_shared>>) dst(%dma_wait3A_118 : memref<80x128xf32, #tpu.memory_space<hbm>>)
          tpu.yield
        }) : () -> ()
      } else {
      }
    }
    %scan3A_95 = arith.constant 8 : i32
    return
  }
}

#map = affine_map<(d0, d1) -> (0, 0)>
module attributes {stable_mosaic.version = 14 : i64} {
  func.func @_hist_kernel(%arg0: i32, %arg1: i32, %arg2: memref<32x10000xi32, #tpu.memory_space<hbm>>, %arg3: memref<32x10000xi32, #tpu.memory_space<hbm>>, %arg4: memref<32x10000xf32, #tpu.memory_space<hbm>>, %arg5: memref<32x10000xf32, #tpu.memory_space<hbm>>, %arg6: memref<10000xi32, #tpu.memory_space<vmem>>, %arg7: memref<10000xf32, #tpu.memory_space<vmem>>) attributes {dimension_semantics = [#tpu.dimension_semantics<core_parallel>, #tpu.dimension_semantics<subcore_parallel>], iteration_bounds = array<i64: 2, 16>, scalar_prefetch = 0 : i64, scratch_operands = 2 : i64, tpu.core_type = #tpu.core_type<sc_vector_subcore>, window_params = [{transform_indices = #map}, {transform_indices = #map}, {transform_indices = #map}, {transform_indices = #map}]} {
    %mul3A = arith.constant 16 : i32
    %mul3A_0 = arith.muli %arg0, %mul3A : i32
    %add3A = arith.addi %mul3A_0, %arg1 : i32
    %broadcast_in_dim3A = arith.constant 1.000000e+00 : f32
    %broadcast_in_dim3A_1 = vector.broadcast %broadcast_in_dim3A : f32 to vector<16xf32>
    %broadcast_in_dim3A_2 = arith.constant 0.000000e+00 : f32
    %broadcast_in_dim3A_3 = vector.broadcast %broadcast_in_dim3A_2 : f32 to vector<16xf32>
    "tpu.region"() ({
      %run_scoped3A = tpu.sem_alloc : memref<!tpu.dma_semaphore, #tpu.memory_space<semaphore_mem>>
      %dma_start3A = arith.constant 0 : i32
      %dma_start3A_69 = tpu.memref_slice %arg2[%add3A, %dma_start3A] : memref<32x10000xi32, #tpu.memory_space<hbm>> -> memref<1x10000xi32, #tpu.memory_space<hbm>>
      %dma_start3A_70 = tpu.memref_squeeze %dma_start3A_69 : memref<1x10000xi32, #tpu.memory_space<hbm>> -> memref<10000xi32, #tpu.memory_space<hbm>>
      %dma_start3A_71 = arith.constant 0 : i32
      %dma_start3A_72 = tpu.memref_slice %arg2[%add3A, %dma_start3A_71] : memref<32x10000xi32, #tpu.memory_space<hbm>> -> memref<1x10000xi32, #tpu.memory_space<hbm>>
      %dma_start3A_73 = tpu.memref_squeeze %dma_start3A_72 : memref<1x10000xi32, #tpu.memory_space<hbm>> -> memref<10000xi32, #tpu.memory_space<hbm>>
      tpu.enqueue_dma source(%dma_start3A_73 : memref<10000xi32, #tpu.memory_space<hbm>>) target(%arg6 : memref<10000xi32, #tpu.memory_space<vmem>>) target_semaphore(%run_scoped3A : memref<!tpu.dma_semaphore, #tpu.memory_space<semaphore_mem>>)
      %dma_wait3A = arith.constant 0 : i32
      %dma_wait3A_74 = tpu.memref_slice %arg2[%add3A, %dma_wait3A] : memref<32x10000xi32, #tpu.memory_space<hbm>> -> memref<1x10000xi32, #tpu.memory_space<hbm>>
      %dma_wait3A_75 = tpu.memref_squeeze %dma_wait3A_74 : memref<1x10000xi32, #tpu.memory_space<hbm>> -> memref<10000xi32, #tpu.memory_space<hbm>>
      %dma_wait3A_76 = arith.constant 0 : i32
      %dma_wait3A_77 = tpu.memref_slice %arg2[%add3A, %dma_wait3A_76] : memref<32x10000xi32, #tpu.memory_space<hbm>> -> memref<1x10000xi32, #tpu.memory_space<hbm>>
      %dma_wait3A_78 = tpu.memref_squeeze %dma_wait3A_77 : memref<1x10000xi32, #tpu.memory_space<hbm>> -> memref<10000xi32, #tpu.memory_space<hbm>>
      tpu.wait_dma2 semaphore(%run_scoped3A : memref<!tpu.dma_semaphore, #tpu.memory_space<semaphore_mem>>) src(%dma_wait3A_78 : memref<10000xi32, #tpu.memory_space<hbm>>) dst(%arg6 : memref<10000xi32, #tpu.memory_space<vmem>>)
      tpu.yield
    }) : () -> ()
    %scan3A = arith.constant 0 : i32
    %scan3A_4 = arith.constant 78 : i32
    %scan3A_5 = arith.addi %scan3A, %scan3A_4 : i32
    %scan3A_6 = arith.constant 1 : i32
    scf.for %scan3A_69 = %scan3A to %scan3A_5 step %scan3A_6  : i32 {
      %mul3A_70 = arith.constant 1 : i32
      %mul3A_71 = arith.muli %scan3A_69, %mul3A_70 : i32
      %add3A_72 = arith.constant 0 : i32
      %add3A_73 = arith.addi %add3A_72, %mul3A_71 : i32
      %mul3A_74 = arith.constant 8 : i32
      %mul3A_75 = arith.muli %add3A_73, %mul3A_74 : i32
      %mul3A_76 = arith.constant 16 : i32
      %mul3A_77 = arith.muli %mul3A_75, %mul3A_76 : i32
      %add3A_78 = arith.constant 0 : i32
      %add3A_79 = arith.addi %mul3A_77, %add3A_78 : i32
      %swap3A_80 = arith.index_cast %add3A_79 : i32 to index
      %swap3A_81 = tpu.vector_load %arg7[%swap3A_80] {strides = array<i32>} : memref<10000xf32, #tpu.memory_space<vmem>>, vector<16xf32>,
      tpu.vector_store %arg7[%swap3A_80], %broadcast_in_dim3A_3 {strides = array<i32>} : memref<10000xf32, #tpu.memory_space<vmem>>, vector<16xf32>,
      %mul3A_82 = arith.constant 8 : i32
      %mul3A_83 = arith.muli %add3A_73, %mul3A_82 : i32
      %mul3A_84 = arith.constant 16 : i32
      %mul3A_85 = arith.muli %mul3A_83, %mul3A_84 : i32
      %add3A_86 = arith.constant 16 : i32
      %add3A_87 = arith.addi %mul3A_85, %add3A_86 : i32
      %swap3A_88 = arith.index_cast %add3A_87 : i32 to index
      %swap3A_89 = tpu.vector_load %arg7[%swap3A_88] {strides = array<i32>} : memref<10000xf32, #tpu.memory_space<vmem>>, vector<16xf32>,
      tpu.vector_store %arg7[%swap3A_88], %broadcast_in_dim3A_3 {strides = array<i32>} : memref<10000xf32, #tpu.memory_space<vmem>>, vector<16xf32>,
      %mul3A_90 = arith.constant 8 : i32
      %mul3A_91 = arith.muli %add3A_73, %mul3A_90 : i32
      %mul3A_92 = arith.constant 16 : i32
      %mul3A_93 = arith.muli %mul3A_91, %mul3A_92 : i32
      %add3A_94 = arith.constant 32 : i32
      %add3A_95 = arith.addi %mul3A_93, %add3A_94 : i32
      %swap3A_96 = arith.index_cast %add3A_95 : i32 to index
      %swap3A_97 = tpu.vector_load %arg7[%swap3A_96] {strides = array<i32>} : memref<10000xf32, #tpu.memory_space<vmem>>, vector<16xf32>,
      tpu.vector_store %arg7[%swap3A_96], %broadcast_in_dim3A_3 {strides = array<i32>} : memref<10000xf32, #tpu.memory_space<vmem>>, vector<16xf32>,
      %mul3A_98 = arith.constant 8 : i32
      %mul3A_99 = arith.muli %add3A_73, %mul3A_98 : i32
      %mul3A_100 = arith.constant 16 : i32
      %mul3A_101 = arith.muli %mul3A_99, %mul3A_100 : i32
      %add3A_102 = arith.constant 48 : i32
      %add3A_103 = arith.addi %mul3A_101, %add3A_102 : i32
      %swap3A_104 = arith.index_cast %add3A_103 : i32 to index
      %swap3A_105 = tpu.vector_load %arg7[%swap3A_104] {strides = array<i32>} : memref<10000xf32, #tpu.memory_space<vmem>>, vector<16xf32>,
      tpu.vector_store %arg7[%swap3A_104], %broadcast_in_dim3A_3 {strides = array<i32>} : memref<10000xf32, #tpu.memory_space<vmem>>, vector<16xf32>,
      %mul3A_106 = arith.constant 8 : i32
      %mul3A_107 = arith.muli %add3A_73, %mul3A_106 : i32
      %mul3A_108 = arith.constant 16 : i32
      %mul3A_109 = arith.muli %mul3A_107, %mul3A_108 : i32
      %add3A_110 = arith.constant 64 : i32
      %add3A_111 = arith.addi %mul3A_109, %add3A_110 : i32
      %swap3A_112 = arith.index_cast %add3A_111 : i32 to index
      %swap3A_113 = tpu.vector_load %arg7[%swap3A_112] {strides = array<i32>} : memref<10000xf32, #tpu.memory_space<vmem>>, vector<16xf32>,
      tpu.vector_store %arg7[%swap3A_112], %broadcast_in_dim3A_3 {strides = array<i32>} : memref<10000xf32, #tpu.memory_space<vmem>>, vector<16xf32>,
      %mul3A_114 = arith.constant 8 : i32
      %mul3A_115 = arith.muli %add3A_73, %mul3A_114 : i32
      %mul3A_116 = arith.constant 16 : i32
      %mul3A_117 = arith.muli %mul3A_115, %mul3A_116 : i32
      %add3A_118 = arith.constant 80 : i32
      %add3A_119 = arith.addi %mul3A_117, %add3A_118 : i32
      %swap3A_120 = arith.index_cast %add3A_119 : i32 to index
      %swap3A_121 = tpu.vector_load %arg7[%swap3A_120] {strides = array<i32>} : memref<10000xf32, #tpu.memory_space<vmem>>, vector<16xf32>,
      tpu.vector_store %arg7[%swap3A_120], %broadcast_in_dim3A_3 {strides = array<i32>} : memref<10000xf32, #tpu.memory_space<vmem>>, vector<16xf32>,
      %mul3A_122 = arith.constant 8 : i32
      %mul3A_123 = arith.muli %add3A_73, %mul3A_122 : i32
      %mul3A_124 = arith.constant 16 : i32
      %mul3A_125 = arith.muli %mul3A_123, %mul3A_124 : i32
      %add3A_126 = arith.constant 96 : i32
      %add3A_127 = arith.addi %mul3A_125, %add3A_126 : i32
      %swap3A_128 = arith.index_cast %add3A_127 : i32 to index
      %swap3A_129 = tpu.vector_load %arg7[%swap3A_128] {strides = array<i32>} : memref<10000xf32, #tpu.memory_space<vmem>>, vector<16xf32>,
      tpu.vector_store %arg7[%swap3A_128], %broadcast_in_dim3A_3 {strides = array<i32>} : memref<10000xf32, #tpu.memory_space<vmem>>, vector<16xf32>,
      %mul3A_130 = arith.constant 8 : i32
      %mul3A_131 = arith.muli %add3A_73, %mul3A_130 : i32
      %mul3A_132 = arith.constant 16 : i32
      %mul3A_133 = arith.muli %mul3A_131, %mul3A_132 : i32
      %add3A_134 = arith.constant 112 : i32
      %add3A_135 = arith.addi %mul3A_133, %add3A_134 : i32
      %swap3A_136 = arith.index_cast %add3A_135 : i32 to index
      %swap3A_137 = tpu.vector_load %arg7[%swap3A_136] {strides = array<i32>} : memref<10000xf32, #tpu.memory_space<vmem>>, vector<16xf32>,
      tpu.vector_store %arg7[%swap3A_136], %broadcast_in_dim3A_3 {strides = array<i32>} : memref<10000xf32, #tpu.memory_space<vmem>>, vector<16xf32>,
    }
    %scan3A_7 = arith.constant 78 : i32
    %scan3A_8 = arith.constant 0 : i32
    %mul3A_9 = arith.constant 1 : i32
    %mul3A_10 = arith.muli %scan3A_8, %mul3A_9 : i32
    %add3A_11 = arith.constant 0 : i32
    %add3A_12 = arith.addi %add3A_11, %mul3A_10 : i32
    %mul3A_13 = arith.constant 16 : i32
    %mul3A_14 = arith.muli %add3A_12, %mul3A_13 : i32
    %add3A_15 = arith.constant 9984 : i32
    %add3A_16 = arith.addi %add3A_15, %mul3A_14 : i32
    %swap3A = arith.index_cast %add3A_16 : i32 to index
    %swap3A_17 = tpu.vector_load %arg7[%swap3A] {strides = array<i32>} : memref<10000xf32, #tpu.memory_space<vmem>>, vector<16xf32>,
    tpu.vector_store %arg7[%swap3A], %broadcast_in_dim3A_3 {strides = array<i32>} : memref<10000xf32, #tpu.memory_space<vmem>>, vector<16xf32>,
    %scan3A_18 = arith.constant 1 : i32
    %scan3A_19 = arith.constant 0 : i32
    %scan3A_20 = arith.constant 78 : i32
    %scan3A_21 = arith.addi %scan3A_19, %scan3A_20 : i32
    %scan3A_22 = arith.constant 1 : i32
    scf.for %scan3A_69 = %scan3A_19 to %scan3A_21 step %scan3A_22  : i32 {
      %mul3A_70 = arith.constant 1 : i32
      %mul3A_71 = arith.muli %scan3A_69, %mul3A_70 : i32
      %add3A_72 = arith.constant 0 : i32
      %add3A_73 = arith.addi %add3A_72, %mul3A_71 : i32
      %mul3A_74 = arith.constant 8 : i32
      %mul3A_75 = arith.muli %add3A_73, %mul3A_74 : i32
      %mul3A_76 = arith.constant 16 : i32
      %mul3A_77 = arith.muli %mul3A_75, %mul3A_76 : i32
      %add3A_78 = arith.constant 0 : i32
      %add3A_79 = arith.addi %mul3A_77, %add3A_78 : i32
      %get3A_80 = arith.index_cast %add3A_79 : i32 to index
      %get3A_81 = tpu.vector_load %arg6[%get3A_80] {strides = array<i32>} : memref<10000xi32, #tpu.memory_space<vmem>>, vector<16xi32>,
      tpu.vector_store_idx %arg7[%get3A_81], %broadcast_in_dim3A_1 {add = true} : memref<10000xf32, #tpu.memory_space<vmem>>[vector<16xi32>], vector<16xf32>,
      %mul3A_82 = arith.constant 8 : i32
      %mul3A_83 = arith.muli %add3A_73, %mul3A_82 : i32
      %mul3A_84 = arith.constant 16 : i32
      %mul3A_85 = arith.muli %mul3A_83, %mul3A_84 : i32
      %add3A_86 = arith.constant 16 : i32
      %add3A_87 = arith.addi %mul3A_85, %add3A_86 : i32
      %get3A_88 = arith.index_cast %add3A_87 : i32 to index
      %get3A_89 = tpu.vector_load %arg6[%get3A_88] {strides = array<i32>} : memref<10000xi32, #tpu.memory_space<vmem>>, vector<16xi32>,
      tpu.vector_store_idx %arg7[%get3A_89], %broadcast_in_dim3A_1 {add = true} : memref<10000xf32, #tpu.memory_space<vmem>>[vector<16xi32>], vector<16xf32>,
      %mul3A_90 = arith.constant 8 : i32
      %mul3A_91 = arith.muli %add3A_73, %mul3A_90 : i32
      %mul3A_92 = arith.constant 16 : i32
      %mul3A_93 = arith.muli %mul3A_91, %mul3A_92 : i32
      %add3A_94 = arith.constant 32 : i32
      %add3A_95 = arith.addi %mul3A_93, %add3A_94 : i32
      %get3A_96 = arith.index_cast %add3A_95 : i32 to index
      %get3A_97 = tpu.vector_load %arg6[%get3A_96] {strides = array<i32>} : memref<10000xi32, #tpu.memory_space<vmem>>, vector<16xi32>,
      tpu.vector_store_idx %arg7[%get3A_97], %broadcast_in_dim3A_1 {add = true} : memref<10000xf32, #tpu.memory_space<vmem>>[vector<16xi32>], vector<16xf32>,
      %mul3A_98 = arith.constant 8 : i32
      %mul3A_99 = arith.muli %add3A_73, %mul3A_98 : i32
      %mul3A_100 = arith.constant 16 : i32
      %mul3A_101 = arith.muli %mul3A_99, %mul3A_100 : i32
      %add3A_102 = arith.constant 48 : i32
      %add3A_103 = arith.addi %mul3A_101, %add3A_102 : i32
      %get3A_104 = arith.index_cast %add3A_103 : i32 to index
      %get3A_105 = tpu.vector_load %arg6[%get3A_104] {strides = array<i32>} : memref<10000xi32, #tpu.memory_space<vmem>>, vector<16xi32>,
      tpu.vector_store_idx %arg7[%get3A_105], %broadcast_in_dim3A_1 {add = true} : memref<10000xf32, #tpu.memory_space<vmem>>[vector<16xi32>], vector<16xf32>,
      %mul3A_106 = arith.constant 8 : i32
      %mul3A_107 = arith.muli %add3A_73, %mul3A_106 : i32
      %mul3A_108 = arith.constant 16 : i32
      %mul3A_109 = arith.muli %mul3A_107, %mul3A_108 : i32
      %add3A_110 = arith.constant 64 : i32
      %add3A_111 = arith.addi %mul3A_109, %add3A_110 : i32
      %get3A_112 = arith.index_cast %add3A_111 : i32 to index
      %get3A_113 = tpu.vector_load %arg6[%get3A_112] {strides = array<i32>} : memref<10000xi32, #tpu.memory_space<vmem>>, vector<16xi32>,
      tpu.vector_store_idx %arg7[%get3A_113], %broadcast_in_dim3A_1 {add = true} : memref<10000xf32, #tpu.memory_space<vmem>>[vector<16xi32>], vector<16xf32>,
      %mul3A_114 = arith.constant 8 : i32
      %mul3A_115 = arith.muli %add3A_73, %mul3A_114 : i32
      %mul3A_116 = arith.constant 16 : i32
      %mul3A_117 = arith.muli %mul3A_115, %mul3A_116 : i32
      %add3A_118 = arith.constant 80 : i32
      %add3A_119 = arith.addi %mul3A_117, %add3A_118 : i32
      %get3A_120 = arith.index_cast %add3A_119 : i32 to index
      %get3A_121 = tpu.vector_load %arg6[%get3A_120] {strides = array<i32>} : memref<10000xi32, #tpu.memory_space<vmem>>, vector<16xi32>,
      tpu.vector_store_idx %arg7[%get3A_121], %broadcast_in_dim3A_1 {add = true} : memref<10000xf32, #tpu.memory_space<vmem>>[vector<16xi32>], vector<16xf32>,
      %mul3A_122 = arith.constant 8 : i32
      %mul3A_123 = arith.muli %add3A_73, %mul3A_122 : i32
      %mul3A_124 = arith.constant 16 : i32
      %mul3A_125 = arith.muli %mul3A_123, %mul3A_124 : i32
      %add3A_126 = arith.constant 96 : i32
      %add3A_127 = arith.addi %mul3A_125, %add3A_126 : i32
      %get3A_128 = arith.index_cast %add3A_127 : i32 to index
      %get3A_129 = tpu.vector_load %arg6[%get3A_128] {strides = array<i32>} : memref<10000xi32, #tpu.memory_space<vmem>>, vector<16xi32>,
      tpu.vector_store_idx %arg7[%get3A_129], %broadcast_in_dim3A_1 {add = true} : memref<10000xf32, #tpu.memory_space<vmem>>[vector<16xi32>], vector<16xf32>,
      %mul3A_130 = arith.constant 8 : i32
      %mul3A_131 = arith.muli %add3A_73, %mul3A_130 : i32
      %mul3A_132 = arith.constant 16 : i32
      %mul3A_133 = arith.muli %mul3A_131, %mul3A_132 : i32
      %add3A_134 = arith.constant 112 : i32
      %add3A_135 = arith.addi %mul3A_133, %add3A_134 : i32
      %get3A_136 = arith.index_cast %add3A_135 : i32 to index
      %get3A_137 = tpu.vector_load %arg6[%get3A_136] {strides = array<i32>} : memref<10000xi32, #tpu.memory_space<vmem>>, vector<16xi32>,
      tpu.vector_store_idx %arg7[%get3A_137], %broadcast_in_dim3A_1 {add = true} : memref<10000xf32, #tpu.memory_space<vmem>>[vector<16xi32>], vector<16xf32>,
    }
    %scan3A_23 = arith.constant 78 : i32
    %scan3A_24 = arith.constant 0 : i32
    %mul3A_25 = arith.constant 1 : i32
    %mul3A_26 = arith.muli %scan3A_24, %mul3A_25 : i32
    %add3A_27 = arith.constant 0 : i32
    %add3A_28 = arith.addi %add3A_27, %mul3A_26 : i32
    %mul3A_29 = arith.constant 16 : i32
    %mul3A_30 = arith.muli %add3A_28, %mul3A_29 : i32
    %add3A_31 = arith.constant 9984 : i32
    %add3A_32 = arith.addi %add3A_31, %mul3A_30 : i32
    %get3A = arith.index_cast %add3A_32 : i32 to index
    %get3A_33 = tpu.vector_load %arg6[%get3A] {strides = array<i32>} : memref<10000xi32, #tpu.memory_space<vmem>>, vector<16xi32>,
    tpu.vector_store_idx %arg7[%get3A_33], %broadcast_in_dim3A_1 {add = true} : memref<10000xf32, #tpu.memory_space<vmem>>[vector<16xi32>], vector<16xf32>,
    %scan3A_34 = arith.constant 1 : i32
    "tpu.region"() ({
      %run_scoped3A = tpu.sem_alloc : memref<!tpu.dma_semaphore, #tpu.memory_space<semaphore_mem>>
      %dma_start3A = arith.constant 0 : i32
      %dma_start3A_69 = tpu.memref_slice %arg4[%add3A, %dma_start3A] : memref<32x10000xf32, #tpu.memory_space<hbm>> -> memref<1x10000xf32, #tpu.memory_space<hbm>>
      %dma_start3A_70 = tpu.memref_squeeze %dma_start3A_69 : memref<1x10000xf32, #tpu.memory_space<hbm>> -> memref<10000xf32, #tpu.memory_space<hbm>>
      %dma_start3A_71 = arith.constant 0 : i32
      %dma_start3A_72 = tpu.memref_slice %arg4[%add3A, %dma_start3A_71] : memref<32x10000xf32, #tpu.memory_space<hbm>> -> memref<1x10000xf32, #tpu.memory_space<hbm>>
      %dma_start3A_73 = tpu.memref_squeeze %dma_start3A_72 : memref<1x10000xf32, #tpu.memory_space<hbm>> -> memref<10000xf32, #tpu.memory_space<hbm>>
      tpu.enqueue_dma source(%arg7 : memref<10000xf32, #tpu.memory_space<vmem>>) target(%dma_start3A_73 : memref<10000xf32, #tpu.memory_space<hbm>>) target_semaphore(%run_scoped3A : memref<!tpu.dma_semaphore, #tpu.memory_space<semaphore_mem>>)
      %dma_wait3A = arith.constant 0 : i32
      %dma_wait3A_74 = tpu.memref_slice %arg4[%add3A, %dma_wait3A] : memref<32x10000xf32, #tpu.memory_space<hbm>> -> memref<1x10000xf32, #tpu.memory_space<hbm>>
      %dma_wait3A_75 = tpu.memref_squeeze %dma_wait3A_74 : memref<1x10000xf32, #tpu.memory_space<hbm>> -> memref<10000xf32, #tpu.memory_space<hbm>>
      %dma_wait3A_76 = arith.constant 0 : i32
      %dma_wait3A_77 = tpu.memref_slice %arg4[%add3A, %dma_wait3A_76] : memref<32x10000xf32, #tpu.memory_space<hbm>> -> memref<1x10000xf32, #tpu.memory_space<hbm>>
      %dma_wait3A_78 = tpu.memref_squeeze %dma_wait3A_77 : memref<1x10000xf32, #tpu.memory_space<hbm>> -> memref<10000xf32, #tpu.memory_space<hbm>>
      tpu.wait_dma2 semaphore(%run_scoped3A : memref<!tpu.dma_semaphore, #tpu.memory_space<semaphore_mem>>) src(%arg7 : memref<10000xf32, #tpu.memory_space<vmem>>) dst(%dma_wait3A_78 : memref<10000xf32, #tpu.memory_space<hbm>>)
      tpu.yield
    }) : () -> ()
    "tpu.region"() ({
      %run_scoped3A = tpu.sem_alloc : memref<!tpu.dma_semaphore, #tpu.memory_space<semaphore_mem>>
      %dma_start3A = arith.constant 0 : i32
      %dma_start3A_69 = tpu.memref_slice %arg3[%add3A, %dma_start3A] : memref<32x10000xi32, #tpu.memory_space<hbm>> -> memref<1x10000xi32, #tpu.memory_space<hbm>>
      %dma_start3A_70 = tpu.memref_squeeze %dma_start3A_69 : memref<1x10000xi32, #tpu.memory_space<hbm>> -> memref<10000xi32, #tpu.memory_space<hbm>>
      %dma_start3A_71 = arith.constant 0 : i32
      %dma_start3A_72 = tpu.memref_slice %arg3[%add3A, %dma_start3A_71] : memref<32x10000xi32, #tpu.memory_space<hbm>> -> memref<1x10000xi32, #tpu.memory_space<hbm>>
      %dma_start3A_73 = tpu.memref_squeeze %dma_start3A_72 : memref<1x10000xi32, #tpu.memory_space<hbm>> -> memref<10000xi32, #tpu.memory_space<hbm>>
      tpu.enqueue_dma source(%dma_start3A_73 : memref<10000xi32, #tpu.memory_space<hbm>>) target(%arg6 : memref<10000xi32, #tpu.memory_space<vmem>>) target_semaphore(%run_scoped3A : memref<!tpu.dma_semaphore, #tpu.memory_space<semaphore_mem>>)
      %dma_wait3A = arith.constant 0 : i32
      %dma_wait3A_74 = tpu.memref_slice %arg3[%add3A, %dma_wait3A] : memref<32x10000xi32, #tpu.memory_space<hbm>> -> memref<1x10000xi32, #tpu.memory_space<hbm>>
      %dma_wait3A_75 = tpu.memref_squeeze %dma_wait3A_74 : memref<1x10000xi32, #tpu.memory_space<hbm>> -> memref<10000xi32, #tpu.memory_space<hbm>>
      %dma_wait3A_76 = arith.constant 0 : i32
      %dma_wait3A_77 = tpu.memref_slice %arg3[%add3A, %dma_wait3A_76] : memref<32x10000xi32, #tpu.memory_space<hbm>> -> memref<1x10000xi32, #tpu.memory_space<hbm>>
      %dma_wait3A_78 = tpu.memref_squeeze %dma_wait3A_77 : memref<1x10000xi32, #tpu.memory_space<hbm>> -> memref<10000xi32, #tpu.memory_space<hbm>>
      tpu.wait_dma2 semaphore(%run_scoped3A : memref<!tpu.dma_semaphore, #tpu.memory_space<semaphore_mem>>) src(%dma_wait3A_78 : memref<10000xi32, #tpu.memory_space<hbm>>) dst(%arg6 : memref<10000xi32, #tpu.memory_space<vmem>>)
      tpu.yield
    }) : () -> ()
    %scan3A_35 = arith.constant 0 : i32
    %scan3A_36 = arith.constant 78 : i32
    %scan3A_37 = arith.addi %scan3A_35, %scan3A_36 : i32
    %scan3A_38 = arith.constant 1 : i32
    scf.for %scan3A_69 = %scan3A_35 to %scan3A_37 step %scan3A_38  : i32 {
      %mul3A_70 = arith.constant 1 : i32
      %mul3A_71 = arith.muli %scan3A_69, %mul3A_70 : i32
      %add3A_72 = arith.constant 0 : i32
      %add3A_73 = arith.addi %add3A_72, %mul3A_71 : i32
      %mul3A_74 = arith.constant 8 : i32
      %mul3A_75 = arith.muli %add3A_73, %mul3A_74 : i32
      %mul3A_76 = arith.constant 16 : i32
      %mul3A_77 = arith.muli %mul3A_75, %mul3A_76 : i32
      %add3A_78 = arith.constant 0 : i32
      %add3A_79 = arith.addi %mul3A_77, %add3A_78 : i32
      %swap3A_80 = arith.index_cast %add3A_79 : i32 to index
      %swap3A_81 = tpu.vector_load %arg7[%swap3A_80] {strides = array<i32>} : memref<10000xf32, #tpu.memory_space<vmem>>, vector<16xf32>,
      tpu.vector_store %arg7[%swap3A_80], %broadcast_in_dim3A_3 {strides = array<i32>} : memref<10000xf32, #tpu.memory_space<vmem>>, vector<16xf32>,
      %mul3A_82 = arith.constant 8 : i32
      %mul3A_83 = arith.muli %add3A_73, %mul3A_82 : i32
      %mul3A_84 = arith.constant 16 : i32
      %mul3A_85 = arith.muli %mul3A_83, %mul3A_84 : i32
      %add3A_86 = arith.constant 16 : i32
      %add3A_87 = arith.addi %mul3A_85, %add3A_86 : i32
      %swap3A_88 = arith.index_cast %add3A_87 : i32 to index
      %swap3A_89 = tpu.vector_load %arg7[%swap3A_88] {strides = array<i32>} : memref<10000xf32, #tpu.memory_space<vmem>>, vector<16xf32>,
      tpu.vector_store %arg7[%swap3A_88], %broadcast_in_dim3A_3 {strides = array<i32>} : memref<10000xf32, #tpu.memory_space<vmem>>, vector<16xf32>,
      %mul3A_90 = arith.constant 8 : i32
      %mul3A_91 = arith.muli %add3A_73, %mul3A_90 : i32
      %mul3A_92 = arith.constant 16 : i32
      %mul3A_93 = arith.muli %mul3A_91, %mul3A_92 : i32
      %add3A_94 = arith.constant 32 : i32
      %add3A_95 = arith.addi %mul3A_93, %add3A_94 : i32
      %swap3A_96 = arith.index_cast %add3A_95 : i32 to index
      %swap3A_97 = tpu.vector_load %arg7[%swap3A_96] {strides = array<i32>} : memref<10000xf32, #tpu.memory_space<vmem>>, vector<16xf32>,
      tpu.vector_store %arg7[%swap3A_96], %broadcast_in_dim3A_3 {strides = array<i32>} : memref<10000xf32, #tpu.memory_space<vmem>>, vector<16xf32>,
      %mul3A_98 = arith.constant 8 : i32
      %mul3A_99 = arith.muli %add3A_73, %mul3A_98 : i32
      %mul3A_100 = arith.constant 16 : i32
      %mul3A_101 = arith.muli %mul3A_99, %mul3A_100 : i32
      %add3A_102 = arith.constant 48 : i32
      %add3A_103 = arith.addi %mul3A_101, %add3A_102 : i32
      %swap3A_104 = arith.index_cast %add3A_103 : i32 to index
      %swap3A_105 = tpu.vector_load %arg7[%swap3A_104] {strides = array<i32>} : memref<10000xf32, #tpu.memory_space<vmem>>, vector<16xf32>,
      tpu.vector_store %arg7[%swap3A_104], %broadcast_in_dim3A_3 {strides = array<i32>} : memref<10000xf32, #tpu.memory_space<vmem>>, vector<16xf32>,
      %mul3A_106 = arith.constant 8 : i32
      %mul3A_107 = arith.muli %add3A_73, %mul3A_106 : i32
      %mul3A_108 = arith.constant 16 : i32
      %mul3A_109 = arith.muli %mul3A_107, %mul3A_108 : i32
      %add3A_110 = arith.constant 64 : i32
      %add3A_111 = arith.addi %mul3A_109, %add3A_110 : i32
      %swap3A_112 = arith.index_cast %add3A_111 : i32 to index
      %swap3A_113 = tpu.vector_load %arg7[%swap3A_112] {strides = array<i32>} : memref<10000xf32, #tpu.memory_space<vmem>>, vector<16xf32>,
      tpu.vector_store %arg7[%swap3A_112], %broadcast_in_dim3A_3 {strides = array<i32>} : memref<10000xf32, #tpu.memory_space<vmem>>, vector<16xf32>,
      %mul3A_114 = arith.constant 8 : i32
      %mul3A_115 = arith.muli %add3A_73, %mul3A_114 : i32
      %mul3A_116 = arith.constant 16 : i32
      %mul3A_117 = arith.muli %mul3A_115, %mul3A_116 : i32
      %add3A_118 = arith.constant 80 : i32
      %add3A_119 = arith.addi %mul3A_117, %add3A_118 : i32
      %swap3A_120 = arith.index_cast %add3A_119 : i32 to index
      %swap3A_121 = tpu.vector_load %arg7[%swap3A_120] {strides = array<i32>} : memref<10000xf32, #tpu.memory_space<vmem>>, vector<16xf32>,
      tpu.vector_store %arg7[%swap3A_120], %broadcast_in_dim3A_3 {strides = array<i32>} : memref<10000xf32, #tpu.memory_space<vmem>>, vector<16xf32>,
      %mul3A_122 = arith.constant 8 : i32
      %mul3A_123 = arith.muli %add3A_73, %mul3A_122 : i32
      %mul3A_124 = arith.constant 16 : i32
      %mul3A_125 = arith.muli %mul3A_123, %mul3A_124 : i32
      %add3A_126 = arith.constant 96 : i32
      %add3A_127 = arith.addi %mul3A_125, %add3A_126 : i32
      %swap3A_128 = arith.index_cast %add3A_127 : i32 to index
      %swap3A_129 = tpu.vector_load %arg7[%swap3A_128] {strides = array<i32>} : memref<10000xf32, #tpu.memory_space<vmem>>, vector<16xf32>,
      tpu.vector_store %arg7[%swap3A_128], %broadcast_in_dim3A_3 {strides = array<i32>} : memref<10000xf32, #tpu.memory_space<vmem>>, vector<16xf32>,
      %mul3A_130 = arith.constant 8 : i32
      %mul3A_131 = arith.muli %add3A_73, %mul3A_130 : i32
      %mul3A_132 = arith.constant 16 : i32
      %mul3A_133 = arith.muli %mul3A_131, %mul3A_132 : i32
      %add3A_134 = arith.constant 112 : i32
      %add3A_135 = arith.addi %mul3A_133, %add3A_134 : i32
      %swap3A_136 = arith.index_cast %add3A_135 : i32 to index
      %swap3A_137 = tpu.vector_load %arg7[%swap3A_136] {strides = array<i32>} : memref<10000xf32, #tpu.memory_space<vmem>>, vector<16xf32>,
      tpu.vector_store %arg7[%swap3A_136], %broadcast_in_dim3A_3 {strides = array<i32>} : memref<10000xf32, #tpu.memory_space<vmem>>, vector<16xf32>,
    }
    %scan3A_39 = arith.constant 78 : i32
    %scan3A_40 = arith.constant 0 : i32
    %mul3A_41 = arith.constant 1 : i32
    %mul3A_42 = arith.muli %scan3A_40, %mul3A_41 : i32
    %add3A_43 = arith.constant 0 : i32
    %add3A_44 = arith.addi %add3A_43, %mul3A_42 : i32
    %mul3A_45 = arith.constant 16 : i32
    %mul3A_46 = arith.muli %add3A_44, %mul3A_45 : i32
    %add3A_47 = arith.constant 9984 : i32
    %add3A_48 = arith.addi %add3A_47, %mul3A_46 : i32
    %swap3A_49 = arith.index_cast %add3A_48 : i32 to index
    %swap3A_50 = tpu.vector_load %arg7[%swap3A_49] {strides = array<i32>} : memref<10000xf32, #tpu.memory_space<vmem>>, vector<16xf32>,
    tpu.vector_store %arg7[%swap3A_49], %broadcast_in_dim3A_3 {strides = array<i32>} : memref<10000xf32, #tpu.memory_space<vmem>>, vector<16xf32>,
    %scan3A_51 = arith.constant 1 : i32
    %scan3A_52 = arith.constant 0 : i32
    %scan3A_53 = arith.constant 78 : i32
    %scan3A_54 = arith.addi %scan3A_52, %scan3A_53 : i32
    %scan3A_55 = arith.constant 1 : i32
    scf.for %scan3A_69 = %scan3A_52 to %scan3A_54 step %scan3A_55  : i32 {
      %mul3A_70 = arith.constant 1 : i32
      %mul3A_71 = arith.muli %scan3A_69, %mul3A_70 : i32
      %add3A_72 = arith.constant 0 : i32
      %add3A_73 = arith.addi %add3A_72, %mul3A_71 : i32
      %mul3A_74 = arith.constant 8 : i32
      %mul3A_75 = arith.muli %add3A_73, %mul3A_74 : i32
      %mul3A_76 = arith.constant 16 : i32
      %mul3A_77 = arith.muli %mul3A_75, %mul3A_76 : i32
      %add3A_78 = arith.constant 0 : i32
      %add3A_79 = arith.addi %mul3A_77, %add3A_78 : i32
      %get3A_80 = arith.index_cast %add3A_79 : i32 to index
      %get3A_81 = tpu.vector_load %arg6[%get3A_80] {strides = array<i32>} : memref<10000xi32, #tpu.memory_space<vmem>>, vector<16xi32>,
      tpu.vector_store_idx %arg7[%get3A_81], %broadcast_in_dim3A_1 {add = true} : memref<10000xf32, #tpu.memory_space<vmem>>[vector<16xi32>], vector<16xf32>,
      %mul3A_82 = arith.constant 8 : i32
      %mul3A_83 = arith.muli %add3A_73, %mul3A_82 : i32
      %mul3A_84 = arith.constant 16 : i32
      %mul3A_85 = arith.muli %mul3A_83, %mul3A_84 : i32
      %add3A_86 = arith.constant 16 : i32
      %add3A_87 = arith.addi %mul3A_85, %add3A_86 : i32
      %get3A_88 = arith.index_cast %add3A_87 : i32 to index
      %get3A_89 = tpu.vector_load %arg6[%get3A_88] {strides = array<i32>} : memref<10000xi32, #tpu.memory_space<vmem>>, vector<16xi32>,
      tpu.vector_store_idx %arg7[%get3A_89], %broadcast_in_dim3A_1 {add = true} : memref<10000xf32, #tpu.memory_space<vmem>>[vector<16xi32>], vector<16xf32>,
      %mul3A_90 = arith.constant 8 : i32
      %mul3A_91 = arith.muli %add3A_73, %mul3A_90 : i32
      %mul3A_92 = arith.constant 16 : i32
      %mul3A_93 = arith.muli %mul3A_91, %mul3A_92 : i32
      %add3A_94 = arith.constant 32 : i32
      %add3A_95 = arith.addi %mul3A_93, %add3A_94 : i32
      %get3A_96 = arith.index_cast %add3A_95 : i32 to index
      %get3A_97 = tpu.vector_load %arg6[%get3A_96] {strides = array<i32>} : memref<10000xi32, #tpu.memory_space<vmem>>, vector<16xi32>,
      tpu.vector_store_idx %arg7[%get3A_97], %broadcast_in_dim3A_1 {add = true} : memref<10000xf32, #tpu.memory_space<vmem>>[vector<16xi32>], vector<16xf32>,
      %mul3A_98 = arith.constant 8 : i32
      %mul3A_99 = arith.muli %add3A_73, %mul3A_98 : i32
      %mul3A_100 = arith.constant 16 : i32
      %mul3A_101 = arith.muli %mul3A_99, %mul3A_100 : i32
      %add3A_102 = arith.constant 48 : i32
      %add3A_103 = arith.addi %mul3A_101, %add3A_102 : i32
      %get3A_104 = arith.index_cast %add3A_103 : i32 to index
      %get3A_105 = tpu.vector_load %arg6[%get3A_104] {strides = array<i32>} : memref<10000xi32, #tpu.memory_space<vmem>>, vector<16xi32>,
      tpu.vector_store_idx %arg7[%get3A_105], %broadcast_in_dim3A_1 {add = true} : memref<10000xf32, #tpu.memory_space<vmem>>[vector<16xi32>], vector<16xf32>,
      %mul3A_106 = arith.constant 8 : i32
      %mul3A_107 = arith.muli %add3A_73, %mul3A_106 : i32
      %mul3A_108 = arith.constant 16 : i32
      %mul3A_109 = arith.muli %mul3A_107, %mul3A_108 : i32
      %add3A_110 = arith.constant 64 : i32
      %add3A_111 = arith.addi %mul3A_109, %add3A_110 : i32
      %get3A_112 = arith.index_cast %add3A_111 : i32 to index
      %get3A_113 = tpu.vector_load %arg6[%get3A_112] {strides = array<i32>} : memref<10000xi32, #tpu.memory_space<vmem>>, vector<16xi32>,
      tpu.vector_store_idx %arg7[%get3A_113], %broadcast_in_dim3A_1 {add = true} : memref<10000xf32, #tpu.memory_space<vmem>>[vector<16xi32>], vector<16xf32>,
      %mul3A_114 = arith.constant 8 : i32
      %mul3A_115 = arith.muli %add3A_73, %mul3A_114 : i32
      %mul3A_116 = arith.constant 16 : i32
      %mul3A_117 = arith.muli %mul3A_115, %mul3A_116 : i32
      %add3A_118 = arith.constant 80 : i32
      %add3A_119 = arith.addi %mul3A_117, %add3A_118 : i32
      %get3A_120 = arith.index_cast %add3A_119 : i32 to index
      %get3A_121 = tpu.vector_load %arg6[%get3A_120] {strides = array<i32>} : memref<10000xi32, #tpu.memory_space<vmem>>, vector<16xi32>,
      tpu.vector_store_idx %arg7[%get3A_121], %broadcast_in_dim3A_1 {add = true} : memref<10000xf32, #tpu.memory_space<vmem>>[vector<16xi32>], vector<16xf32>,
      %mul3A_122 = arith.constant 8 : i32
      %mul3A_123 = arith.muli %add3A_73, %mul3A_122 : i32
      %mul3A_124 = arith.constant 16 : i32
      %mul3A_125 = arith.muli %mul3A_123, %mul3A_124 : i32
      %add3A_126 = arith.constant 96 : i32
      %add3A_127 = arith.addi %mul3A_125, %add3A_126 : i32
      %get3A_128 = arith.index_cast %add3A_127 : i32 to index
      %get3A_129 = tpu.vector_load %arg6[%get3A_128] {strides = array<i32>} : memref<10000xi32, #tpu.memory_space<vmem>>, vector<16xi32>,
      tpu.vector_store_idx %arg7[%get3A_129], %broadcast_in_dim3A_1 {add = true} : memref<10000xf32, #tpu.memory_space<vmem>>[vector<16xi32>], vector<16xf32>,
      %mul3A_130 = arith.constant 8 : i32
      %mul3A_131 = arith.muli %add3A_73, %mul3A_130 : i32
      %mul3A_132 = arith.constant 16 : i32
      %mul3A_133 = arith.muli %mul3A_131, %mul3A_132 : i32
      %add3A_134 = arith.constant 112 : i32
      %add3A_135 = arith.addi %mul3A_133, %add3A_134 : i32
      %get3A_136 = arith.index_cast %add3A_135 : i32 to index
      %get3A_137 = tpu.vector_load %arg6[%get3A_136] {strides = array<i32>} : memref<10000xi32, #tpu.memory_space<vmem>>, vector<16xi32>,
      tpu.vector_store_idx %arg7[%get3A_137], %broadcast_in_dim3A_1 {add = true} : memref<10000xf32, #tpu.memory_space<vmem>>[vector<16xi32>], vector<16xf32>,
    }
    %scan3A_56 = arith.constant 78 : i32
    %scan3A_57 = arith.constant 0 : i32
    %mul3A_58 = arith.constant 1 : i32
    %mul3A_59 = arith.muli %scan3A_57, %mul3A_58 : i32
    %add3A_60 = arith.constant 0 : i32
    %add3A_61 = arith.addi %add3A_60, %mul3A_59 : i32
    %mul3A_62 = arith.constant 16 : i32
    %mul3A_63 = arith.muli %add3A_61, %mul3A_62 : i32
    %add3A_64 = arith.constant 9984 : i32
    %add3A_65 = arith.addi %add3A_64, %mul3A_63 : i32
    %get3A_66 = arith.index_cast %add3A_65 : i32 to index
    %get3A_67 = tpu.vector_load %arg6[%get3A_66] {strides = array<i32>} : memref<10000xi32, #tpu.memory_space<vmem>>, vector<16xi32>,
    tpu.vector_store_idx %arg7[%get3A_67], %broadcast_in_dim3A_1 {add = true} : memref<10000xf32, #tpu.memory_space<vmem>>[vector<16xi32>], vector<16xf32>,
    %scan3A_68 = arith.constant 1 : i32
    "tpu.region"() ({
      %run_scoped3A = tpu.sem_alloc : memref<!tpu.dma_semaphore, #tpu.memory_space<semaphore_mem>>
      %dma_start3A = arith.constant 0 : i32
      %dma_start3A_69 = tpu.memref_slice %arg5[%add3A, %dma_start3A] : memref<32x10000xf32, #tpu.memory_space<hbm>> -> memref<1x10000xf32, #tpu.memory_space<hbm>>
      %dma_start3A_70 = tpu.memref_squeeze %dma_start3A_69 : memref<1x10000xf32, #tpu.memory_space<hbm>> -> memref<10000xf32, #tpu.memory_space<hbm>>
      %dma_start3A_71 = arith.constant 0 : i32
      %dma_start3A_72 = tpu.memref_slice %arg5[%add3A, %dma_start3A_71] : memref<32x10000xf32, #tpu.memory_space<hbm>> -> memref<1x10000xf32, #tpu.memory_space<hbm>>
      %dma_start3A_73 = tpu.memref_squeeze %dma_start3A_72 : memref<1x10000xf32, #tpu.memory_space<hbm>> -> memref<10000xf32, #tpu.memory_space<hbm>>
      tpu.enqueue_dma source(%arg7 : memref<10000xf32, #tpu.memory_space<vmem>>) target(%dma_start3A_73 : memref<10000xf32, #tpu.memory_space<hbm>>) target_semaphore(%run_scoped3A : memref<!tpu.dma_semaphore, #tpu.memory_space<semaphore_mem>>)
      %dma_wait3A = arith.constant 0 : i32
      %dma_wait3A_74 = tpu.memref_slice %arg5[%add3A, %dma_wait3A] : memref<32x10000xf32, #tpu.memory_space<hbm>> -> memref<1x10000xf32, #tpu.memory_space<hbm>>
      %dma_wait3A_75 = tpu.memref_squeeze %dma_wait3A_74 : memref<1x10000xf32, #tpu.memory_space<hbm>> -> memref<10000xf32, #tpu.memory_space<hbm>>
      %dma_wait3A_76 = arith.constant 0 : i32
      %dma_wait3A_77 = tpu.memref_slice %arg5[%add3A, %dma_wait3A_76] : memref<32x10000xf32, #tpu.memory_space<hbm>> -> memref<1x10000xf32, #tpu.memory_space<hbm>>
      %dma_wait3A_78 = tpu.memref_squeeze %dma_wait3A_77 : memref<1x10000xf32, #tpu.memory_space<hbm>> -> memref<10000xf32, #tpu.memory_space<hbm>>
      tpu.wait_dma2 semaphore(%run_scoped3A : memref<!tpu.dma_semaphore, #tpu.memory_space<semaphore_mem>>) src(%arg7 : memref<10000xf32, #tpu.memory_space<vmem>>) dst(%dma_wait3A_78 : memref<10000xf32, #tpu.memory_space<hbm>>)
      tpu.yield
    }) : () -> ()
    return
  }
}

module attributes {stable_mosaic.version = 14 : i64} {
  func.func @_scale_body(%arg0: memref<10000x128xf32, #tpu.memory_space<vmem>>, %arg1: memref<32x10000xf32, #tpu.memory_space<vmem>>, %arg2: memref<32x10000xf32, #tpu.memory_space<vmem>>, %arg3: memref<10000x128xf32, #tpu.memory_space<vmem>>, %arg4: memref<1x10000xf32, #tpu.memory_space<vmem>>) attributes {dimension_semantics = [], scalar_prefetch = 0 : i64, scratch_operands = 0 : i64, tpu.core_type = #tpu.core_type<tc>} {
    %get3A = arith.constant 0 : index
    %get3A_0 = arith.constant 0 : index
    %get3A_1 = vector.load %arg1[%get3A, %get3A_0] : memref<32x10000xf32, #tpu.memory_space<vmem>>, vector<32x10000xf32>
    %reduce_sum3A = arith.constant dense<0.000000e+00> : vector<10000xf32>
    %reduce_sum3A_2 = vector.multi_reduction <add>, %get3A_1, %reduce_sum3A [0] : vector<32x10000xf32> to vector<10000xf32>
    %max3A = arith.constant 1.000000e+00 : f32
    %max3A_3 = vector.broadcast %max3A : f32 to vector<10000xf32>
    %max3A_4 = arith.maximumf %reduce_sum3A_2, %max3A_3 : vector<10000xf32>
    %get3A_5 = arith.constant 0 : index
    %get3A_6 = arith.constant 0 : index
    %get3A_7 = vector.load %arg0[%get3A_5, %get3A_6] : memref<10000x128xf32, #tpu.memory_space<vmem>>, vector<10000x128xf32>
    %rsqrt3A = math.rsqrt %max3A_4 : vector<10000xf32>
    %broadcast_in_dim3A = vector.shape_cast %rsqrt3A : vector<10000xf32> to vector<10000x1xf32>
    %mul3A = vector.broadcast %broadcast_in_dim3A : vector<10000x1xf32> to vector<10000x128xf32>
    %mul3A_8 = arith.mulf %get3A_7, %mul3A : vector<10000x128xf32>
    %swap3A = arith.constant 0 : index
    %swap3A_9 = arith.constant 0 : index
    %swap3A_10 = vector.load %arg3[%swap3A, %swap3A_9] : memref<10000x128xf32, #tpu.memory_space<vmem>>, vector<10000x128xf32>
    tpu.vector_store %arg3[%swap3A, %swap3A_9], %mul3A_8 {strides = array<i32>} : memref<10000x128xf32, #tpu.memory_space<vmem>>, vector<10000x128xf32>,
    %get3A_11 = arith.constant 0 : index
    %get3A_12 = arith.constant 0 : index
    %get3A_13 = vector.load %arg2[%get3A_11, %get3A_12] : memref<32x10000xf32, #tpu.memory_space<vmem>>, vector<32x10000xf32>
    %reduce_sum3A_14 = arith.constant dense<0.000000e+00> : vector<10000xf32>
    %reduce_sum3A_15 = vector.multi_reduction <add>, %get3A_13, %reduce_sum3A_14 [0] : vector<32x10000xf32> to vector<10000xf32>
    %max3A_16 = arith.constant 1.000000e+00 : f32
    %max3A_17 = vector.broadcast %max3A_16 : f32 to vector<10000xf32>
    %max3A_18 = arith.maximumf %reduce_sum3A_15, %max3A_17 : vector<10000xf32>
    %rsqrt3A_19 = math.rsqrt %max3A_18 : vector<10000xf32>
    %broadcast_in_dim3A_20 = vector.shape_cast %rsqrt3A_19 : vector<10000xf32> to vector<1x10000xf32>
    %swap3A_21 = arith.constant 0 : index
    %swap3A_22 = arith.constant 0 : index
    %swap3A_23 = vector.load %arg4[%swap3A_21, %swap3A_22] : memref<1x10000xf32, #tpu.memory_space<vmem>>, vector<1x10000xf32>
    tpu.vector_store %arg4[%swap3A_21, %swap3A_22], %broadcast_in_dim3A_20 {strides = array<i32>} : memref<1x10000xf32, #tpu.memory_space<vmem>>, vector<1x10000xf32>,
    return
  }
}

module attributes {stable_mosaic.version = 14 : i64} {
  func.func @_combine_body(%arg0: memref<2x10000x128xf32, #tpu.memory_space<vmem>>, %arg1: memref<1x10000xf32, #tpu.memory_space<vmem>>, %arg2: memref<10000x128xf32, #tpu.memory_space<vmem>>) attributes {dimension_semantics = [], scalar_prefetch = 0 : i64, scratch_operands = 0 : i64, tpu.core_type = #tpu.core_type<tc>} {
    %get3A = arith.constant 0 : index
    %get3A_0 = arith.constant 0 : index
    %get3A_1 = arith.constant 0 : index
    %get3A_2 = vector.load %arg0[%get3A, %get3A_0, %get3A_1] : memref<2x10000x128xf32, #tpu.memory_space<vmem>>, vector<1x10000x128xf32>
    %get3A_3 = vector.shape_cast %get3A_2 : vector<1x10000x128xf32> to vector<10000x128xf32>
    %get3A_4 = arith.constant 1 : index
    %get3A_5 = arith.constant 0 : index
    %get3A_6 = arith.constant 0 : index
    %get3A_7 = vector.load %arg0[%get3A_4, %get3A_5, %get3A_6] : memref<2x10000x128xf32, #tpu.memory_space<vmem>>, vector<1x10000x128xf32>
    %get3A_8 = vector.shape_cast %get3A_7 : vector<1x10000x128xf32> to vector<10000x128xf32>
    %add3A = arith.addf %get3A_3, %get3A_8 : vector<10000x128xf32>
    %get3A_9 = arith.constant 0 : index
    %get3A_10 = arith.constant 0 : index
    %get3A_11 = vector.load %arg1[%get3A_9, %get3A_10] : memref<1x10000xf32, #tpu.memory_space<vmem>>, vector<1x10000xf32>
    %get3A_12 = vector.shape_cast %get3A_11 : vector<1x10000xf32> to vector<10000xf32>
    %broadcast_in_dim3A = vector.shape_cast %get3A_12 : vector<10000xf32> to vector<10000x1xf32>
    %mul3A = vector.broadcast %broadcast_in_dim3A : vector<10000x1xf32> to vector<10000x128xf32>
    %mul3A_13 = arith.mulf %add3A, %mul3A : vector<10000x128xf32>
    %swap3A = arith.constant 0 : index
    %swap3A_14 = arith.constant 0 : index
    %swap3A_15 = vector.load %arg2[%swap3A, %swap3A_14] : memref<10000x128xf32, #tpu.memory_space<vmem>>, vector<10000x128xf32>
    tpu.vector_store %arg2[%swap3A, %swap3A_14], %mul3A_13 {strides = array<i32>} : memref<10000x128xf32, #tpu.memory_space<vmem>>, vector<10000x128xf32>,
    return
  }
}

</mosaic_0001>

<sc_bundles>
// kernel: kernel.6.cloned.1.call-start
scs
__scs_entry_jumppad:
0x0: {  	(pc) =	sbr.rel $0x88, $3  }
0x1: {  	(tag) =	ssettag $0x0;
	lr =	simm.s32 $0x1  }
0x2: {  	[smem:$0x3F9F] =	sst lr;
	_ =	strace $0xD0000000  }
0x3: {  	_ = 	snop  }
0x4: {  	_ = 	snop  }
0x5: {  	_ = 	snop  }
0x6: {  	_ = 	snop  }
0x7: {  	_ = 	snop  }
__scs_overlays_trampoline_lowered:
0x8: {  	[smem:$0x3FAE] =	sst s0  }
0x9: {  	[smem:$0x3FAF] =	sst s1  }
0xa: {  	[smem:$0x3FB0] =	sst s2  }
0xb: {  	[smem:$0x3FB1] =	sst s3  }
0xc: {  	[smem:$0x3FB2] =	sst s4  }
0xd: {  	[smem:$0x3FB3] =	sst s5  }
0xe: {  	[smem:$0x3FB4] =	sst s6  }
0xf: {  	[smem:$0x3FB5] =	sst s7  }
0x10: {  	[smem:$0x3FB6] =	sst s8  }
0x11: {  	[smem:$0x3FB7] =	sst s9;
	s0 =	simm.s32 @!p0 $0x0  }
0x12: {  	s1 =	sld [smem:$0x3F9D];
	s0 =	simm.s32 @p0 $0x1  }
0x13: {  	[smem:$0x3FB8] =	sst s0;
	s0 =	simm.s32 @!p1 $0x0  }
0x14: {  	s2 =	sld [smem:$0x3F9C];
	s0 =	simm.s32 @p1 $0x1  }
0x15: {  	[smem:$0x3FB9] =	sst s0;
	s0 =	simm.s32 @!p2 $0x0  }
0x16: {  	s3 =	sld [smem:$0x3FDB];
	s0 =	simm.s32 @p2 $0x1  }
0x17: {  	s4 =	simm.s32 $0x1BF5;
	[smem:$0x3FBB] =	sst s0  }
0x18: {  	s0 =	sld [smem:$0x3F9E];
	_ =	swait.ge [sflag:s4], $0x0  }
0x19: {  	s7 =	sld [smem:$0x3F9F]  }
0x1a: {  	s8 =	sadd.s32 $0xFFFFE003, lr  }
0x1b: {  	s9 =	sadd.s32 $0xFFFFFEF7, lr;
	s5 =	simm.s32 $0xFFFFFFFF;
	p2 =	slt.u32 s8, $0xFFFFF086  }
0x1c: {  	p1 =	slt.u32 s9, $0xF7A;
	s5 =	simm.s32 @!p2 $0x0  }
0x1d: {  	s5 =	simm.s32 @p1 $0x1;
	p0 =	seq.s32 s7, s2  }
0x1e: {  	s7 =	smul.u32 @!p0 $0xF7A, s2;
	p2 =	seq.s32 @!p0 s5, $0x0  }
0x1f: {  	s9 =	smul.u32 $0xF7A, s1;
	s8 =	simm.s32 @!p0 $0x1BF5;
	p2 =	por !p2, p0  }
0x20: {  	[sflag:s8] =	ssyncset.s32 @!p0 $0xFFFFF086;
	s6 =	sadd.s32 @!p0 s3, s7;
	s7 =	simm.s32 @!p0 $0x108  }
0x21: {  	s3 =	sadd.s32 s3, s9;
	s6 =	sadd.s32 @!p0 $0x88, s6;
	s7 =	simm.s32 @p2 $0x1082  }
0x22: {  	[simem:s7], [sflag:s8] =	dma.local @!p0 [hbm:s6], $0xF7A  }
0x23: {  	s9 =	sor.u32 $0xD0000000, s2;
	s6 =	simm.s32 $0x108;
	_ =	swait.ge @!p0 [sflag:s8], $0x0  }
0x24: {  	s3 =	sadd.s32 $0x88, s3;
	s6 =	simm.s32 @!p1 $0x1082;
	[sflag:s4] =	ssyncset.s32 $0xFFFFF086  }
0x25: {  	[simem:s6], [sflag:s4] =	dma.local [hbm:s3], $0xF7A  }
0x26: {  	[smem:$0x3F9F] =	sst s1;
	(tag) =	ssettag s2;
	_ =	strace s9  }
0x27: {  	s1 =	sld [smem:$0x3FAF]  }
0x28: {  	s2 =	sld [smem:$0x3FB0]  }
0x29: {  	s4 =	sld [smem:$0x3FB2]  }
0x2a: {  	p0 =	seq.s32 s5, $0x0;
	s5 =	sld [smem:$0x3FB3]  }
0x2b: {  	s6 =	sld [smem:$0x3FB4]  }
0x2c: {  	s7 =	sld [smem:$0x3FB5]  }
0x2d: {  	s3 =	simm.s32 $0x108;
	s8 =	sld [smem:$0x3FB6]  }
0x2e: {  	s3 =	simm.s32 @!p0 $0x1082;
	s9 =	sld [smem:$0x3FB7]  }
0x2f: {  	lr =	sadd.s32 s0, s3;
	s0 =	sld [smem:$0x3FAE]  }
0x30: {  	s3 =	sld [smem:$0x3FB1]  }
0x31: {  	[smem:$0x3FBA] =	sst s10  }
0x32: {  	s10 =	sld [smem:$0x3FB8];
	_ =	sdelay $0x3  }
0x33: {  	p0 =	seq.s32 s10, $0x1;
	s10 =	sld [smem:$0x3FBA];
	_ =	sdelay $0x3  }
0x34: {  	[smem:$0x3FBA] =	sst s10  }
0x35: {  	s10 =	sld [smem:$0x3FB9];
	_ =	sdelay $0x3  }
0x36: {  	p1 =	seq.s32 s10, $0x1;
	s10 =	sld [smem:$0x3FBA];
	_ =	sdelay $0x3  }
0x37: {  	[smem:$0x3FBA] =	sst s10  }
0x38: {  	s10 =	sld [smem:$0x3FBB]  }
0x39: {  	_ = 	snop;
	(pc) =	sbr.ind lr, $3  }
0x3a: {  	_ = 	snop  }
0x3b: {  	_ = 	snop  }
0x3c: {  	p2 =	seq.s32 s10, $0x1;
	s10 =	sld [smem:$0x3FBA]  }
0x3d: {  	_ =	shalt  }
0x3e: {  	_ =	shalt  }
0x3f: {  	_ =	shalt  }
0x40: {  	_ =	shalt  }
0x41: {  	_ =	shalt  }
0x42: {  	_ =	shalt  }
0x43: {  	_ =	shalt  }
0x44: {  	_ =	shalt  }
0x45: {  	_ =	shalt  }
0x46: {  	_ =	shalt  }
0x47: {  	_ =	shalt  }
0x48: {  	_ =	shalt  }
0x49: {  	_ =	shalt  }
0x4a: {  	_ =	shalt  }
0x4b: {  	_ =	shalt  }
0x4c: {  	_ =	shalt  }
0x4d: {  	_ =	shalt  }
0x4e: {  	_ =	shalt  }
0x4f: {  	_ =	shalt  }
0x50: {  	_ =	shalt  }
0x51: {  	_ =	shalt  }
0x52: {  	_ =	shalt  }
0x53: {  	_ =	shalt  }
0x54: {  	_ =	shalt  }
0x55: {  	_ =	shalt  }
0x56: {  	_ =	shalt  }
0x57: {  	_ =	shalt  }
0x58: {  	_ =	shalt  }
0x59: {  	_ =	shalt  }
0x5a: {  	_ =	shalt  }
0x5b: {  	_ =	shalt  }
0x5c: {  	_ =	shalt  }
0x5d: {  	_ =	shalt  }
0x5e: {  	_ =	shalt  }
0x5f: {  	_ =	shalt  }
0x60: {  	_ =	shalt  }
0x61: {  	_ =	shalt  }
0x62: {  	_ =	shalt  }
0x63: {  	_ =	shalt  }
0x64: {  	_ =	shalt  }
0x65: {  	_ =	shalt  }
0x66: {  	_ =	shalt  }
0x67: {  	_ =	shalt  }
0x68: {  	_ =	shalt  }
0x69: {  	_ =	shalt  }
0x6a: {  	_ =	shalt  }
0x6b: {  	_ =	shalt  }
0x6c: {  	_ =	shalt  }
0x6d: {  	_ =	shalt  }
0x6e: {  	_ =	shalt  }
0x6f: {  	_ =	shalt  }
0x70: {  	_ =	shalt  }
0x71: {  	_ =	shalt  }
0x72: {  	_ =	shalt  }
0x73: {  	_ =	shalt  }
0x74: {  	_ =	shalt  }
0x75: {  	_ =	shalt  }
0x76: {  	_ =	shalt  }
0x77: {  	_ =	shalt  }
0x78: {  	_ =	shalt  }
0x79: {  	_ =	shalt  }
0x7a: {  	_ =	shalt  }
0x7b: {  	_ =	shalt  }
0x7c: {  	_ =	shalt  }
0x7d: {  	_ =	shalt  }
0x7e: {  	_ =	shalt  }
0x7f: {  	_ =	shalt  }
0x80: {  	_ =	shalt  }
0x81: {  	_ =	shalt  }
0x82: {  	_ =	shalt  }
0x83: {  	_ =	shalt  }
0x84: {  	_ =	shalt  }
0x85: {  	_ =	shalt  }
0x86: {  	_ =	shalt  }
0x87: {  	_ =	shalt  }
.Lfunc_end0:
.L_simem_size_0:
called_computation_lowered:
.L_overlay_start_0:
0x88: {  	s2 =	sld [smem:$0x3FD9]  }
0x89: {  	s3 =	sld [smem:$0x3FFE];
	_ =	sdelay $0x1  }
0x8a: {  	s1 =	srdreg.scid  }
0x8b: {  	s0 =	sand.u32 $0x1, s1  }
0x8c: {  	s17 =	sshll.u32 s0, $0xA;
	s2 =	sadd.s32 s3, s2  }
0x8d: {  	s2 =	sadd.s32 s2, s17  }
0x8e: {  	[smem:$0x3FC6] =	sst s2  }
0x8f: {  	_ = 	snop  }
0x90: {  	s2 =	sld [smem:$0x3FD0];
	(tm) =	ssettm $0x1  }
0x91: {  	s18 =	sld [smem:$0x3FFB];
	_ =	sdelay $0x3  }
0x92: {  	_ =	strace s18  }
0x93: {  	s3 =	sld [smem:$0x3FFC];
	_ =	sdelay $0x3  }
0x94: {  	_ =	strace s3  }
0x95: {  	s3 =	sld [smem:$0x3FFD];
	_ =	sdelay $0x3  }
0x96: {  	_ =	strace s3  }
0x97: {  	_ =	strace $0x8FFFFFFF  }
0x98: {  	s19 =	sld [smem:$0x3FDB];
	_ =	sdelay $0x1  }
0x99: {  	s4 =	simm.s32 $_scs_section_size  }
0x9a: {  	s5 =	simm.s32 $_size__tile_overlayer_lowered;
	s6 =	simm.s32 $_tile_overlayer_lowered  }
0x9b: {  	s22 =	simm.s32 $0x1BFF;
	s21 =	sshll.u32 s6, $0x1;
	s3 =	sadd.s32 s4, s19  }
0x9c: {  	s7 =	simm.s32 $0x0;
	s20 =	sshll.u32 s5, $0x1;
	s5 =	sadd.s32 s21, s3  }
0x9d: {  	[timem:s7], [sflag:s22] =	dma.local [hbm:s5], s20  }
0x9e: {  	_ =	swait.ge [sflag:s22], s20  }
0x9f: {  	s4 =	ssub.s32 $0x0, s20;
	[sflag:s22] =	ssyncset.done $0x0  }
0xa0: {  	[sflag:s22] =	ssyncadd.s32 s4;
	_ =	sdelay $0x1  }
0xa1: {  	s23 =	simm.s32 $0x1B8B  }
0xa2: {  	_ =	swait.ge [sflag:s23], $0x1  }
0xa3: {  	[sflag:s23] =	ssyncset.done $0x0  }
0xa4: {  	s25 =	simm.s32 $0x1B8E;
	s24 =	sld [smem:$0x3FFE];
	[sflag:s23] =	ssyncadd.s32 $0xFFFFFFFF  }
0xa5: {  	s26 =	simm.s32 $execute0_lowered;
	[smem:$0x3FD2] =	sst s25  }
0xa6: {  	s5 =	sshll.u32 s26, $0x1;
	_ =	strace $0x80000046;
	[dreg:$0x1] =	wrdreg $0xFFFFFFFF  }
0xa7: {  	s28 =	simm.s32 $_size_execute0_lowered;
	s3 =	sadd.s32 s3, s5;
	[dreg:$0x0] =	wrdreg $0x0  }
0xa8: {  	s5 =	sshll.u32 s28, $0x1;
	[dreg:$0x2] =	wrdreg s3  }
0xa9: {  	[dreg:$0x3] =	wrdreg s5  }
0xaa: {  	[dreg:$0x4] =	wrdreg $0xC0  }
0xab: {  	_ =	task [dreg:s7], $0x5FFFF  }
0xac: {  	[dreg:$0x1] =	wrdreg $0xFFFFFFFF  }
0xad: {  	[dreg:$0x0] =	wrdreg $0x60  }
0xae: {  	[dreg:$0x2] =	wrdreg s24  }
0xaf: {  	[dreg:$0x3] =	wrdreg s2  }
0xb0: {  	[dreg:$0x4] =	wrdreg $0x9  }
0xb1: {  	_ =	task.clear_ibuf [dreg:s7], $0x5FFFF;
	_ =	strace $0x90000046  }
0xb2: {  	s29 =	simm.s32 $0x9;
	_ =	strace $0x80000048  }
0xb3: {  	_ =	swait.ge [sflag:s29], $0x1  }
0xb4: {  	[sflag:s29] =	ssyncadd.s32 $0xFFFFFFFF  }
0xb5: {  	_ =	strace $0x90000048  }
0xb6: {  	_ =	sfence  }
0xb7: {  	s30 =	sld [smem:$0x0];
	_ =	sdelay $0x2  }
0xb8: {  	s31 =	sshll.u32 s1, $0xD;
	s1 =	sshrl.u32 s1, $0x2  }
0xb9: {  	s3 =	sand.u32 $0x4000, s31;
	s1 =	sadd.s32 s1, s30  }
0xba: {  	s0 =	sor.u32 s3, s0;
	s1 =	sshll.u32 s1, $0x11  }
0xbb: {  	s0 =	sor.u32 s1, s0  }
0xbc: {  	s0 =	sadd.s32 $0x8F2B, s0  }
0xbd: {  	[sflag:s0] =	ssyncadd.remote.s32 $0x1  }
0xbe: {  	_ =	sfence.sel $0xFFFF  }
0xbf: {  	[dreg:$0x0] =	wrdreg $0xFFFFFFFF;
	(pc) =	sbr.abs _section_cstart, $3  }
0xc0: {  	[dreg:$0x1] =	wrdreg $0xFFFFFFFF  }
0xc1: {  	_ =	task.clear_ibuf [dreg:s7], $0x2FFFF;
	_ =	strace $0x9FFFFFFF  }
0xc2: {  	(tm) =	ssettm $0x7FFFFFFF  }
0xc3: {  	_ =	shalt  }
tec
execute0_lowered:
.L_overlay_start_1:
0x0: {  	(tag) =	ssettag $0x1  }
0x1: {  	s0 =	srdreg.scid  }
0x2: {  	s3 =	sand.u32 $0x1, s0  }
0x3: {  	s4 =	rddreg [dreg:$0x0];
	s0 =	stileid.u32;
	s1 =	sshll.u32 s3, $0x4  }
0x4: {  	s5 =	rddreg [dreg:$0x1];
	s1 =	sor.u32 s0, s1  }
0x5: {  	s9 =	simm.s32 $0x400;
	s10 =	simm.s32 $0x1;
	s1 =	sshrl.u32 s1, $0x3  }
0x6: {  	s11 =	simm.s32 $0x2780;
	s30 =	sshll.u32 s0, $0x7;
	s2 =	smul.u32 $0x13C00, s1  }
0x7: {  	s12 =	simm.s32 $0x0;
	s3 =	ssub.s32 $0x2, s3;
	s6 =	sand.u32 $0x380, s30  }
0x8: {  	s31 =	sshrl.u32 s3, $0x1;
	s6 =	sor.u32 s6, s2;
	s2 =	simm.s32 $0x0  }
0x9: {  	s8 =	ssub.s32 s3, s31;
	s6 =	sshrl.u32 s6, $0x3;
	[smem:$0x7FF] =	sst s2  }
0xa: {  	s1 =	rddreg [dreg:$0x2];
	s7 =	sadd.s32 s6, s4;
	_ =	strace $0x80000047  }
0xb: {  	s5 =	sadd.s32 s5, s6;
	s3 =	sadd.s32 $0x1600, s7;
	s4 =	sadd.s32 $0xB400, s7  }
0xc: {  	v0 =	vimm.f32 $0.0e+00;
	v1 =	vimm.f32 $1.000000000e+00;
	s6 =	sadd.s32 $0x15200, s7;
	s7 =	smax.u32 s8, $0x1;
	s8 =	simm.s32 $0x80  }
.LBB2_1:
0xd: {  	[tilespmem:s2], [sflag:$0x1] =	stream.strided.gather [hbm4b:s3+s8], $0x2780, s9, s8, $0x38;
	[tilespmem:$0x4F00] =	vst v63  }
0xe: {  	_ =	swait.ge [sflag:s10], $0x2780  }
0xf: {  	[sflag:s10] =	ssyncset.done $0x0  }
0x10: {  	s13 =	simm.s32 $0x0;
	s14 =	simm.s32 $0x200;
	[sflag:s10] =	ssyncadd.s32 $0xFFFFD880  }
.LBB2_2:
0x11: {  	p0 =	sne.s32 s14, $0x9A00;
	[tilespmem:s13+$0x27F0] =	vst v0  }
0x12: {  	[tilespmem:s13+$0x2780] =	vst v0  }
0x13: {  	[tilespmem:s13+$0x2790] =	vst v0  }
.Ltmp0:
0x14: {  	[tilespmem:s13+$0x27A0] =	vst v0;
	(pc) =	sbr.rel @p0 .LBB2_2-.Ltmp0, $4  }
0x15: {  	[tilespmem:s13+$0x27B0] =	vst v0  }
0x16: {  	[tilespmem:s13+$0x27C0] =	vst v0  }
0x17: {  	[tilespmem:s13+$0x27D0] =	vst v0  }
0x18: {  	[tilespmem:s13+$0x27E0] =	vst v0;
	s13 =	sshra.s32 s14, $0x2;
	s14 =	sadd.s32 $0x200, s14  }
0x19: {  	[tilespmem:s13+$0x27F0] =	vst v0  }
0x1a: {  	[tilespmem:s13+$0x2780] =	vst v0  }
0x1b: {  	[tilespmem:s13+$0x2790] =	vst v0  }
0x1c: {  	[tilespmem:s13+$0x27A0] =	vst v0  }
0x1d: {  	[tilespmem:s13+$0x27B0] =	vst v0  }
0x1e: {  	[tilespmem:s13+$0x27C0] =	vst v0  }
0x1f: {  	[tilespmem:s13+$0x27D0] =	vst v0  }
0x20: {  	[tilespmem:s13+$0x27E0] =	vst v0  }
0x21: {  	s13 =	simm.s32 $0x0;
	[tilespmem:$0x4E80] =	vst v0  }
.LBB2_4:
0x22: {  	s14 =	sshra.s32 s13, $0x2  }
0x23: {  	v2 =	vld [tilespmem:s14+$0x0];
	_ =	sdelay $0x7  }
0x24: {  	[tilespmem:v2+s11+$0x0] =	vst.idx.add.f32.msk $0xffff, v1  }
0x25: {  	v2 =	vld [tilespmem:s14+$0x10];
	_ =	sdelay $0x7  }
0x26: {  	[tilespmem:v2+s11+$0x0] =	vst.idx.add.f32.msk $0xffff, v1  }
0x27: {  	v2 =	vld [tilespmem:s14+$0x20];
	_ =	sdelay $0x7  }
0x28: {  	[tilespmem:v2+s11+$0x0] =	vst.idx.add.f32.msk $0xffff, v1  }
0x29: {  	v2 =	vld [tilespmem:s14+$0x30];
	_ =	sdelay $0x7  }
0x2a: {  	[tilespmem:v2+s11+$0x0] =	vst.idx.add.f32.msk $0xffff, v1  }
0x2b: {  	v2 =	vld [tilespmem:s14+$0x40];
	_ =	sdelay $0x7  }
0x2c: {  	[tilespmem:v2+s11+$0x0] =	vst.idx.add.f32.msk $0xffff, v1  }
0x2d: {  	v2 =	vld [tilespmem:s14+$0x50];
	_ =	sdelay $0x7  }
0x2e: {  	[tilespmem:v2+s11+$0x0] =	vst.idx.add.f32.msk $0xffff, v1  }
0x2f: {  	v2 =	vld [tilespmem:s14+$0x60];
	_ =	sdelay $0x7  }
0x30: {  	[tilespmem:v2+s11+$0x0] =	vst.idx.add.f32.msk $0xffff, v1  }
0x31: {  	v2 =	vld [tilespmem:s14+$0x70];
	_ =	sdelay $0x2  }
0x32: {  	p0 =	sne.s32 s13, $0x9A00  }
.Ltmp1:
0x33: {  	_ = 	snop;
	(pc) =	sbr.rel @p0 .LBB2_4-.Ltmp1, $2  }
0x34: {  	_ =	sdelay $0x2  }
0x35: {  	s13 =	sadd.s32 $0x200, s13;
	[tilespmem:v2+s11+$0x0] =	vst.idx.add.f32.msk $0xffff, v1  }
0x36: {  	v2 =	vld [tilespmem:$0x2700];
	_ =	sdelay $0x7  }
0x37: {  	[tilespmem:v2+s11+$0x0] =	vst.idx.add.f32.msk $0xffff, v1  }
0x38: {  	[hbm4b:s4+s8] =	stream.strided.scatter [tilespmem:s11], [sflag:$0x1], $0x2780, s9, s8, $0x38;
	[tilespmem:$0x4F00] =	vst v63  }
0x39: {  	_ =	swait.ge [sflag:s10], $0x2780  }
0x3a: {  	[sflag:s10] =	ssyncset.done $0x0  }
0x3b: {  	s13 =	simm.s32 $0x0;
	[sflag:s10] =	ssyncadd.s32 $0xFFFFD880  }
0x3c: {  	[tilespmem:s13], [sflag:$0x1] =	stream.strided.gather [hbm4b:s5+s8], $0x2780, s9, s8, $0x38;
	[tilespmem:$0x4F00] =	vst v63  }
0x3d: {  	_ =	swait.ge [sflag:s10], $0x2780  }
0x3e: {  	[sflag:s10] =	ssyncset.done $0x0  }
0x3f: {  	s14 =	simm.s32 $0x200;
	s13 =	simm.s32 $0x0;
	[sflag:s10] =	ssyncadd.s32 $0xFFFFD880  }
.LBB2_6:
0x40: {  	p0 =	sne.s32 s14, $0x9A00;
	[tilespmem:s13+$0x27F0] =	vst v0  }
0x41: {  	[tilespmem:s13+$0x2780] =	vst v0  }
0x42: {  	[tilespmem:s13+$0x2790] =	vst v0  }
.Ltmp2:
0x43: {  	[tilespmem:s13+$0x27A0] =	vst v0;
	(pc) =	sbr.rel @p0 .LBB2_6-.Ltmp2, $4  }
0x44: {  	[tilespmem:s13+$0x27B0] =	vst v0  }
0x45: {  	[tilespmem:s13+$0x27C0] =	vst v0  }
0x46: {  	[tilespmem:s13+$0x27D0] =	vst v0  }
0x47: {  	[tilespmem:s13+$0x27E0] =	vst v0;
	s13 =	sshra.s32 s14, $0x2;
	s14 =	sadd.s32 $0x200, s14  }
0x48: {  	[tilespmem:s13+$0x27F0] =	vst v0  }
0x49: {  	[tilespmem:s13+$0x2780] =	vst v0  }
0x4a: {  	[tilespmem:s13+$0x2790] =	vst v0  }
0x4b: {  	[tilespmem:s13+$0x27A0] =	vst v0  }
0x4c: {  	[tilespmem:s13+$0x27B0] =	vst v0  }
0x4d: {  	[tilespmem:s13+$0x27C0] =	vst v0  }
0x4e: {  	[tilespmem:s13+$0x27D0] =	vst v0  }
0x4f: {  	[tilespmem:s13+$0x27E0] =	vst v0  }
0x50: {  	s13 =	simm.s32 $0x0;
	[tilespmem:$0x4E80] =	vst v0  }
.LBB2_8:
0x51: {  	s14 =	sshra.s32 s13, $0x2  }
0x52: {  	v2 =	vld [tilespmem:s14+$0x0];
	_ =	sdelay $0x7  }
0x53: {  	[tilespmem:v2+s11+$0x0] =	vst.idx.add.f32.msk $0xffff, v1  }
0x54: {  	v2 =	vld [tilespmem:s14+$0x10];
	_ =	sdelay $0x7  }
0x55: {  	[tilespmem:v2+s11+$0x0] =	vst.idx.add.f32.msk $0xffff, v1  }
0x56: {  	v2 =	vld [tilespmem:s14+$0x20];
	_ =	sdelay $0x7  }
0x57: {  	[tilespmem:v2+s11+$0x0] =	vst.idx.add.f32.msk $0xffff, v1  }
0x58: {  	v2 =	vld [tilespmem:s14+$0x30];
	_ =	sdelay $0x7  }
0x59: {  	[tilespmem:v2+s11+$0x0] =	vst.idx.add.f32.msk $0xffff, v1  }
0x5a: {  	v2 =	vld [tilespmem:s14+$0x40];
	_ =	sdelay $0x7  }
0x5b: {  	[tilespmem:v2+s11+$0x0] =	vst.idx.add.f32.msk $0xffff, v1  }
0x5c: {  	v2 =	vld [tilespmem:s14+$0x50];
	_ =	sdelay $0x7  }
0x5d: {  	[tilespmem:v2+s11+$0x0] =	vst.idx.add.f32.msk $0xffff, v1  }
0x5e: {  	v2 =	vld [tilespmem:s14+$0x60];
	_ =	sdelay $0x7  }
0x5f: {  	[tilespmem:v2+s11+$0x0] =	vst.idx.add.f32.msk $0xffff, v1  }
0x60: {  	v2 =	vld [tilespmem:s14+$0x70];
	_ =	sdelay $0x2  }
0x61: {  	p0 =	sne.s32 s13, $0x9A00  }
.Ltmp3:
0x62: {  	_ = 	snop;
	(pc) =	sbr.rel @p0 .LBB2_8-.Ltmp3, $2  }
0x63: {  	_ =	sdelay $0x2  }
0x64: {  	s13 =	sadd.s32 $0x200, s13;
	[tilespmem:v2+s11+$0x0] =	vst.idx.add.f32.msk $0xffff, v1  }
0x65: {  	v2 =	vld [tilespmem:$0x2700];
	_ =	sdelay $0x5  }
0x66: {  	s12 =	sadd.s32 $0x1, s12  }
0x67: {  	p0 =	sne.s32 s12, s7  }
.Ltmp4:
0x68: {  	[tilespmem:v2+s11+$0x0] =	vst.idx.add.f32.msk $0xffff, v1;
	(pc) =	sbr.rel @p0 .LBB2_1-.Ltmp4, $4  }
0x69: {  	[hbm4b:s6+s8] =	stream.strided.scatter [tilespmem:s11], [sflag:$0x1], $0x2780, s9, s8, $0x38;
	[tilespmem:$0x4F00] =	vst v63  }
0x6a: {  	_ =	swait.ge [sflag:s10], $0x2780  }
0x6b: {  	[sflag:s10] =	ssyncset.done $0x0  }
0x6c: {  	[sflag:s10] =	ssyncadd.s32 $0xFFFFD880  }
0x6d: {  	_ =	sfence.sel $0x180000  }
0x6e: {  	[bflag:$0x0] =	sbarrier.arrive $0xFFFF  }
0x6f: {  	p0 =	sne.s32 s0, $0x0;
	_ =	strace $0x90000047  }
0x70: {  	s0 =	sadd.s32 @!p0 $0x100000, s1;
	[bflag:$0x2] =	sbarrier.arrive $0xFFFF  }
0x71: {  	[sflag:s0] =	ssyncadd.tile.s32 @!p0 $0x1;
	_ =	shalt  }
.Lfunc_end2:
_tile_overlayer_lowered:
.L_overlay_start_2:
0x72: {  	(tag) =	ssettag $0x2  }
0x73: {  	s0 =	rddreg [dreg:$0x0];
	s2 =	stileid.u32  }
0x74: {  	s1 =	rddreg [dreg:$0x1];
	p0 =	sne.s32 s2, $0x0  }
0x75: {  	s3 =	rddreg [dreg:$0x2];
	[bflag:$0x3] =	sbarrier.arrive $0xFFFF;
	s2 =	simm.s32 @!p0 $0x1C01  }
0x76: {  	[timem:s3], [sflag:s2] =	dma.local @!p0 [hbm:s0], s1  }
0x77: {  	s0 =	simm.s32 @!p0 $0x1  }
0x78: {  	_ =	swait.ge @!p0 [sflag:s0], s1  }
0x79: {  	s1 =	ssub.s32 @!p0 $0x0, s1;
	[sflag:s0] =	ssyncset.done @!p0 $0x0  }
0x7a: {  	[sflag:s0] =	ssyncadd.s32 @!p0 s1  }
0x7b: {  	[bflag:$0x3] =	sbarrier.arrive $0xFFFF  }
0x7c: {  	_ =	shalt  }

// kernel: kernel.9.cloned.1.call-start
scs
__scs_entry_jumppad:
0x0: {  	(pc) =	sbr.rel $0x88, $3  }
0x1: {  	(tag) =	ssettag $0x0;
	lr =	simm.s32 $0x1  }
0x2: {  	[smem:$0x3F9F] =	sst lr;
	_ =	strace $0xD0000000  }
0x3: {  	_ = 	snop  }
0x4: {  	_ = 	snop  }
0x5: {  	_ = 	snop  }
0x6: {  	_ = 	snop  }
0x7: {  	_ = 	snop  }
__scs_overlays_trampoline_lowered:
0x8: {  	[smem:$0x3FAE] =	sst s0  }
0x9: {  	[smem:$0x3FAF] =	sst s1  }
0xa: {  	[smem:$0x3FB0] =	sst s2  }
0xb: {  	[smem:$0x3FB1] =	sst s3  }
0xc: {  	[smem:$0x3FB2] =	sst s4  }
0xd: {  	[smem:$0x3FB3] =	sst s5  }
0xe: {  	[smem:$0x3FB4] =	sst s6  }
0xf: {  	[smem:$0x3FB5] =	sst s7  }
0x10: {  	[smem:$0x3FB6] =	sst s8  }
0x11: {  	[smem:$0x3FB7] =	sst s9;
	s0 =	simm.s32 @!p0 $0x0  }
0x12: {  	s1 =	sld [smem:$0x3F9D];
	s0 =	simm.s32 @p0 $0x1  }
0x13: {  	[smem:$0x3FB8] =	sst s0;
	s0 =	simm.s32 @!p1 $0x0  }
0x14: {  	s2 =	sld [smem:$0x3F9C];
	s0 =	simm.s32 @p1 $0x1  }
0x15: {  	[smem:$0x3FB9] =	sst s0;
	s0 =	simm.s32 @!p2 $0x0  }
0x16: {  	s3 =	sld [smem:$0x3FDB];
	s0 =	simm.s32 @p2 $0x1  }
0x17: {  	s4 =	simm.s32 $0x1BF5;
	[smem:$0x3FBB] =	sst s0  }
0x18: {  	s0 =	sld [smem:$0x3F9E];
	_ =	swait.ge [sflag:s4], $0x0  }
0x19: {  	s7 =	sld [smem:$0x3F9F]  }
0x1a: {  	s8 =	sadd.s32 $0xFFFFE003, lr  }
0x1b: {  	s9 =	sadd.s32 $0xFFFFFEF7, lr;
	s5 =	simm.s32 $0xFFFFFFFF;
	p2 =	slt.u32 s8, $0xFFFFF086  }
0x1c: {  	p1 =	slt.u32 s9, $0xF7A;
	s5 =	simm.s32 @!p2 $0x0  }
0x1d: {  	s5 =	simm.s32 @p1 $0x1;
	p0 =	seq.s32 s7, s2  }
0x1e: {  	s7 =	smul.u32 @!p0 $0xF7A, s2;
	p2 =	seq.s32 @!p0 s5, $0x0  }
0x1f: {  	s9 =	smul.u32 $0xF7A, s1;
	s8 =	simm.s32 @!p0 $0x1BF5;
	p2 =	por !p2, p0  }
0x20: {  	[sflag:s8] =	ssyncset.s32 @!p0 $0xFFFFF086;
	s6 =	sadd.s32 @!p0 s3, s7;
	s7 =	simm.s32 @!p0 $0x108  }
0x21: {  	s3 =	sadd.s32 s3, s9;
	s6 =	sadd.s32 @!p0 $0x88, s6;
	s7 =	simm.s32 @p2 $0x1082  }
0x22: {  	[simem:s7], [sflag:s8] =	dma.local @!p0 [hbm:s6], $0xF7A  }
0x23: {  	s9 =	sor.u32 $0xD0000000, s2;
	s6 =	simm.s32 $0x108;
	_ =	swait.ge @!p0 [sflag:s8], $0x0  }
0x24: {  	s3 =	sadd.s32 $0x88, s3;
	s6 =	simm.s32 @!p1 $0x1082;
	[sflag:s4] =	ssyncset.s32 $0xFFFFF086  }
0x25: {  	[simem:s6], [sflag:s4] =	dma.local [hbm:s3], $0xF7A  }
0x26: {  	[smem:$0x3F9F] =	sst s1;
	(tag) =	ssettag s2;
	_ =	strace s9  }
0x27: {  	s1 =	sld [smem:$0x3FAF]  }
0x28: {  	s2 =	sld [smem:$0x3FB0]  }
0x29: {  	s4 =	sld [smem:$0x3FB2]  }
0x2a: {  	p0 =	seq.s32 s5, $0x0;
	s5 =	sld [smem:$0x3FB3]  }
0x2b: {  	s6 =	sld [smem:$0x3FB4]  }
0x2c: {  	s7 =	sld [smem:$0x3FB5]  }
0x2d: {  	s3 =	simm.s32 $0x108;
	s8 =	sld [smem:$0x3FB6]  }
0x2e: {  	s3 =	simm.s32 @!p0 $0x1082;
	s9 =	sld [smem:$0x3FB7]  }
0x2f: {  	lr =	sadd.s32 s0, s3;
	s0 =	sld [smem:$0x3FAE]  }
0x30: {  	s3 =	sld [smem:$0x3FB1]  }
0x31: {  	[smem:$0x3FBA] =	sst s10  }
0x32: {  	s10 =	sld [smem:$0x3FB8];
	_ =	sdelay $0x3  }
0x33: {  	p0 =	seq.s32 s10, $0x1;
	s10 =	sld [smem:$0x3FBA];
	_ =	sdelay $0x3  }
0x34: {  	[smem:$0x3FBA] =	sst s10  }
0x35: {  	s10 =	sld [smem:$0x3FB9];
	_ =	sdelay $0x3  }
0x36: {  	p1 =	seq.s32 s10, $0x1;
	s10 =	sld [smem:$0x3FBA];
	_ =	sdelay $0x3  }
0x37: {  	[smem:$0x3FBA] =	sst s10  }
0x38: {  	s10 =	sld [smem:$0x3FBB]  }
0x39: {  	_ = 	snop;
	(pc) =	sbr.ind lr, $3  }
0x3a: {  	_ = 	snop  }
0x3b: {  	_ = 	snop  }
0x3c: {  	p2 =	seq.s32 s10, $0x1;
	s10 =	sld [smem:$0x3FBA]  }
0x3d: {  	_ =	shalt  }
0x3e: {  	_ =	shalt  }
0x3f: {  	_ =	shalt  }
0x40: {  	_ =	shalt  }
0x41: {  	_ =	shalt  }
0x42: {  	_ =	shalt  }
0x43: {  	_ =	shalt  }
0x44: {  	_ =	shalt  }
0x45: {  	_ =	shalt  }
0x46: {  	_ =	shalt  }
0x47: {  	_ =	shalt  }
0x48: {  	_ =	shalt  }
0x49: {  	_ =	shalt  }
0x4a: {  	_ =	shalt  }
0x4b: {  	_ =	shalt  }
0x4c: {  	_ =	shalt  }
0x4d: {  	_ =	shalt  }
0x4e: {  	_ =	shalt  }
0x4f: {  	_ =	shalt  }
0x50: {  	_ =	shalt  }
0x51: {  	_ =	shalt  }
0x52: {  	_ =	shalt  }
0x53: {  	_ =	shalt  }
0x54: {  	_ =	shalt  }
0x55: {  	_ =	shalt  }
0x56: {  	_ =	shalt  }
0x57: {  	_ =	shalt  }
0x58: {  	_ =	shalt  }
0x59: {  	_ =	shalt  }
0x5a: {  	_ =	shalt  }
0x5b: {  	_ =	shalt  }
0x5c: {  	_ =	shalt  }
0x5d: {  	_ =	shalt  }
0x5e: {  	_ =	shalt  }
0x5f: {  	_ =	shalt  }
0x60: {  	_ =	shalt  }
0x61: {  	_ =	shalt  }
0x62: {  	_ =	shalt  }
0x63: {  	_ =	shalt  }
0x64: {  	_ =	shalt  }
0x65: {  	_ =	shalt  }
0x66: {  	_ =	shalt  }
0x67: {  	_ =	shalt  }
0x68: {  	_ =	shalt  }
0x69: {  	_ =	shalt  }
0x6a: {  	_ =	shalt  }
0x6b: {  	_ =	shalt  }
0x6c: {  	_ =	shalt  }
0x6d: {  	_ =	shalt  }
0x6e: {  	_ =	shalt  }
0x6f: {  	_ =	shalt  }
0x70: {  	_ =	shalt  }
0x71: {  	_ =	shalt  }
0x72: {  	_ =	shalt  }
0x73: {  	_ =	shalt  }
0x74: {  	_ =	shalt  }
0x75: {  	_ =	shalt  }
0x76: {  	_ =	shalt  }
0x77: {  	_ =	shalt  }
0x78: {  	_ =	shalt  }
0x79: {  	_ =	shalt  }
0x7a: {  	_ =	shalt  }
0x7b: {  	_ =	shalt  }
0x7c: {  	_ =	shalt  }
0x7d: {  	_ =	shalt  }
0x7e: {  	_ =	shalt  }
0x7f: {  	_ =	shalt  }
0x80: {  	_ =	shalt  }
0x81: {  	_ =	shalt  }
0x82: {  	_ =	shalt  }
0x83: {  	_ =	shalt  }
0x84: {  	_ =	shalt  }
0x85: {  	_ =	shalt  }
0x86: {  	_ =	shalt  }
0x87: {  	_ =	shalt  }
.Lfunc_end0:
.L_simem_size_0:
called_computation.1_lowered:
.L_overlay_start_0:
0x88: {  	s2 =	sld [smem:$0x3FD9]  }
0x89: {  	s3 =	sld [smem:$0x3FFE];
	_ =	sdelay $0x1  }
0x8a: {  	s1 =	srdreg.scid  }
0x8b: {  	s0 =	sand.u32 $0x1, s1  }
0x8c: {  	s17 =	sshll.u32 s0, $0xA;
	s2 =	sadd.s32 s3, s2  }
0x8d: {  	s2 =	sadd.s32 s2, s17  }
0x8e: {  	[smem:$0x3FC6] =	sst s2  }
0x8f: {  	_ = 	snop  }
0x90: {  	s2 =	sld [smem:$0x3FD0];
	(tm) =	ssettm $0x1  }
0x91: {  	s18 =	sld [smem:$0x3FFB];
	_ =	sdelay $0x3  }
0x92: {  	_ =	strace s18  }
0x93: {  	s3 =	sld [smem:$0x3FFC];
	_ =	sdelay $0x3  }
0x94: {  	_ =	strace s3  }
0x95: {  	s3 =	sld [smem:$0x3FFD];
	_ =	sdelay $0x3  }
0x96: {  	_ =	strace s3  }
0x97: {  	_ =	strace $0x8FFFFFFF  }
0x98: {  	s19 =	sld [smem:$0x3FDB];
	_ =	sdelay $0x1  }
0x99: {  	s4 =	simm.s32 $_scs_section_size  }
0x9a: {  	s5 =	simm.s32 $_size__tile_overlayer_lowered;
	s6 =	simm.s32 $_tile_overlayer_lowered  }
0x9b: {  	s22 =	simm.s32 $0x1BFF;
	s21 =	sshll.u32 s6, $0x1;
	s3 =	sadd.s32 s4, s19  }
0x9c: {  	s7 =	simm.s32 $0x0;
	s20 =	sshll.u32 s5, $0x1;
	s5 =	sadd.s32 s21, s3  }
0x9d: {  	[timem:s7], [sflag:s22] =	dma.local [hbm:s5], s20  }
0x9e: {  	_ =	swait.ge [sflag:s22], s20  }
0x9f: {  	s4 =	ssub.s32 $0x0, s20;
	[sflag:s22] =	ssyncset.done $0x0  }
0xa0: {  	[sflag:s22] =	ssyncadd.s32 s4;
	_ =	sdelay $0x1  }
0xa1: {  	s23 =	simm.s32 $0x1B8B  }
0xa2: {  	_ =	swait.ge [sflag:s23], $0x1  }
0xa3: {  	[sflag:s23] =	ssyncset.done $0x0  }
0xa4: {  	s25 =	simm.s32 $0x1B8E;
	s24 =	sld [smem:$0x3FFE];
	[sflag:s23] =	ssyncadd.s32 $0xFFFFFFFF  }
0xa5: {  	s26 =	simm.s32 $execute0_lowered;
	[smem:$0x3FD2] =	sst s25  }
0xa6: {  	s5 =	sshll.u32 s26, $0x1;
	_ =	strace $0x80000049;
	[dreg:$0x1] =	wrdreg $0xFFFFFFFF  }
0xa7: {  	s28 =	simm.s32 $_size_execute0_lowered;
	s3 =	sadd.s32 s3, s5;
	[dreg:$0x0] =	wrdreg $0x0  }
0xa8: {  	s5 =	sshll.u32 s28, $0x1;
	[dreg:$0x2] =	wrdreg s3  }
0xa9: {  	[dreg:$0x3] =	wrdreg s5  }
0xaa: {  	[dreg:$0x4] =	wrdreg $0xC0  }
0xab: {  	_ =	task [dreg:s7], $0x5FFFF  }
0xac: {  	[dreg:$0x1] =	wrdreg $0xFFFFFFFF  }
0xad: {  	[dreg:$0x0] =	wrdreg $0x60  }
0xae: {  	[dreg:$0x2] =	wrdreg s2  }
0xaf: {  	[dreg:$0x3] =	wrdreg s24  }
0xb0: {  	[dreg:$0x4] =	wrdreg $0xB7800  }
0xb1: {  	[dreg:$0x5] =	wrdreg $0x9  }
0xb2: {  	_ =	task.clear_ibuf [dreg:s7], $0x6FFFF;
	_ =	strace $0x90000049  }
0xb3: {  	s29 =	simm.s32 $0x9;
	_ =	strace $0x8000004B  }
0xb4: {  	_ =	swait.ge [sflag:s29], $0x1  }
0xb5: {  	[sflag:s29] =	ssyncadd.s32 $0xFFFFFFFF  }
0xb6: {  	_ =	strace $0x9000004B  }
0xb7: {  	_ =	sfence  }
0xb8: {  	s30 =	sld [smem:$0x0];
	_ =	sdelay $0x2  }
0xb9: {  	s31 =	sshll.u32 s1, $0xD;
	s1 =	sshrl.u32 s1, $0x2  }
0xba: {  	s3 =	sand.u32 $0x4000, s31;
	s1 =	sadd.s32 s1, s30  }
0xbb: {  	s0 =	sor.u32 s3, s0;
	s1 =	sshll.u32 s1, $0x11  }
0xbc: {  	s0 =	sor.u32 s1, s0  }
0xbd: {  	s0 =	sadd.s32 $0x8F2B, s0  }
0xbe: {  	[sflag:s0] =	ssyncadd.remote.s32 $0x1  }
0xbf: {  	_ =	sfence.sel $0xFFFF  }
0xc0: {  	[dreg:$0x0] =	wrdreg $0xFFFFFFFF;
	(pc) =	sbr.abs _section_cstart, $3  }
0xc1: {  	[dreg:$0x1] =	wrdreg $0xFFFFFFFF  }
0xc2: {  	_ =	task.clear_ibuf [dreg:s7], $0x2FFFF;
	_ =	strace $0x9FFFFFFF  }
0xc3: {  	(tm) =	ssettm $0x7FFFFFFF  }
tec
execute0_lowered:
.L_overlay_start_1:
0x0: {  	(tag) =	ssettag $0x1  }
0x1: {  	s1 =	rddreg [dreg:$0x0]  }
0x2: {  	s0 =	srdreg.scid;
	s2 =	rddreg [dreg:$0x1]  }
0x3: {  	s20 =	stileid.u32;
	s3 =	rddreg [dreg:$0x2]  }
0x4: {  	s7 =	simm.s32 $0x0;
	s26 =	smul.u32 $0xA000, s20;
	s8 =	sor.u32 $0x10, s20  }
0x5: {  	s28 =	simm.s32 $0x6780;
	s10 =	sor.u32 $0x20, s20;
	s9 =	smul.u32 $0xA000, s8  }
0x6: {  	s29 =	simm.s32 $0x5;
	s12 =	sor.u32 $0x30, s20;
	s11 =	smul.u32 $0xA000, s10  }
0x7: {  	s30 =	simm.s32 $0x1;
	s14 =	sor.u32 $0x40, s20;
	s13 =	smul.u32 $0xA000, s12  }
0x8: {  	s31 =	simm.s32 $0x28;
	s16 =	sor.u32 $0x50, s20;
	s15 =	smul.u32 $0xA000, s14  }
0x9: {  	s0 =	sand.u32 $0x1, s0;
	s6 =	sshll.u32 s20, $0x7;
	s18 =	smul.u32 $0xA000, s16  }
0xa: {  	[smem:$0x7FF] =	sst s7;
	s19 =	sor.u32 $0x60, s20;
	s7 =	smul.u32 $0x2800, s8  }
0xb: {  	s4 =	sshll.u32 s0, $0x4;
	s6 =	sand.u32 $0x380, s6;
	s12 =	smul.u32 $0x2800, s12  }
0xc: {  	_ =	strace $0x8000004A;
	s24 =	smul.u32 $0x2800, s16;
	s16 =	sor.u32 $0x70, s20  }
0xd: {  	s23 =	smul.u32 $0x2800, s14;
	s4 =	sor.u32 s20, s4;
	p0 =	sgt.u32 s16, $0x7C  }
0xe: {  	s5 =	sshrl.u32 s4, $0x3;
	s4 =	sshll.u32 s4, $0xB;
	s25 =	sshrl.u32 s9, $0x2  }
0xf: {  	s21 =	sshrl.u32 s11, $0x2;
	s22 =	sshrl.u32 s13, $0x2;
	s5 =	smul.u32 $0x13C00, s5  }
0x10: {  	s4 =	sadd.s32 s4, s2;
	s9 =	sadd.s32 s25, s3;
	s11 =	sadd.s32 s22, s3  }
0x11: {  	s25 =	smul.u32 $0x2800, s19;
	s4 =	sadd.s32 $0x1F000, s4;
	s5 =	sor.u32 s6, s5  }
0x12: {  	s6 =	smul.u32 $0x138800, s0;
	s0 =	ssub.s32 $0x2, s0;
	[dreg:$0x5] =	wrdreg s4  }
0x13: {  	s4 =	smul.u32 $0x2800, s20;
	s5 =	sshrl.u32 s5, $0x3;
	s17 =	sshrl.u32 s0, $0x1  }
0x14: {  	s5 =	sadd.s32 s5, s2;
	s2 =	sadd.s32 $0x2F000, s2;
	s0 =	ssub.s32 s0, s17  }
0x15: {  	s17 =	smul.u32 $0xA000, s19;
	s4 =	sadd.s32 s6, s4;
	s20 =	sadd.s32 s6, s12  }
0x16: {  	s22 =	sadd.s32 s6, s24;
	s19 =	smul.u32 $0xA000, s16;
	s24 =	sshrl.u32 s18, $0x2  }
0x17: {  	s5 =	sadd.s32 $0x1600, s5;
	s0 =	smax.u32 s0, $0x1;
	s13 =	sadd.s32 s24, s3  }
0x18: {  	s4 =	sshrl.u32 s4, $0x3;
	s20 =	sshrl.u32 s20, $0x3;
	[dreg:$0x4] =	wrdreg s5  }
0x19: {  	s24 =	sshrl.u32 s22, $0x3;
	[dreg:$0x6] =	wrdreg s0;
	s5 =	sshrl.u32 s26, $0x2  }
0x1a: {  	s26 =	smul.u32 $0x2800, s10;
	s10 =	sadd.s32 s21, s3;
	s0 =	sshrl.u32 s15, $0x2  }
0x1b: {  	s21 =	sadd.s32 s6, s23;
	s23 =	sadd.s32 s6, s25;
	s25 =	sshrl.u32 s17, $0x2  }
0x1c: {  	s8 =	sadd.s32 s5, s3;
	s5 =	sadd.s32 s6, s7;
	s12 =	sadd.s32 s0, s3  }
0x1d: {  	s14 =	sadd.s32 s25, s3;
	s0 =	sadd.s32 s2, s4;
	s21 =	sshrl.u32 s21, $0x3  }
0x1e: {  	s25 =	sshrl.u32 s23, $0x3;
	s4 =	simm.s32 $0x3;
	s7 =	sadd.s32 s6, s26  }
0x1f: {  	s26 =	smul.u32 $0x2800, s16;
	s17 =	sshrl.u32 s5, $0x3;
	[dreg:$0x7] =	wrdreg s0  }
0x20: {  	s22 =	sadd.s32 s2, s25;
	s25 =	simm.s32 $0x8F80;
	s5 =	simm.s32 $0x4  }
0x21: {  	s18 =	sadd.s32 s2, s17;
	s6 =	sadd.s32 s6, s26;
	s26 =	sshrl.u32 s19, $0x2  }
0x22: {  	[dreg:$0x8] =	wrdreg s18;
	s19 =	sshrl.u32 s7, $0x3;
	s15 =	sadd.s32 s26, s3  }
0x23: {  	s0 =	sadd.s32 s2, s19;
	s19 =	sadd.s32 s2, s20;
	s20 =	sadd.s32 s2, s21  }
0x24: {  	s21 =	sadd.s32 s2, s24;
	s26 =	sshrl.u32 s6, $0x3;
	s24 =	simm.s32 $0x50  }
0x25: {  	s6 =	simm.s32 $0x0;
	[dreg:$0x9] =	wrdreg s0;
	s23 =	sadd.s32 s2, s26  }
0x26: {  	v0 =	vimm.f32 $0.0e+00;
	s2 =	simm.s32 $0x7B80;
	s26 =	simm.s32 $0xA380;
	s0 =	simm.s32 $0x2  }
.LBB2_1:
0x27: {  	s7 =	simm.s32 $0x0  }
0x28: {  	s16 =	rddreg [dreg:$0x4];
	s17 =	simm.s32 $0x80;
	s18 =	simm.s32 $0x400  }
0x29: {  	[tilespmem:s7], [sflag:$0x1] =	stream.strided.gather [hbm4b:s16+s17], $0x2780, s18, s17, $0x38;
	[tilespmem:$0x1F000] =	vst v63  }
0x2a: {  	s17 =	rddreg [dreg:$0x5];
	s18 =	simm.s32 $0x2780  }
0x2b: {  	[tilespmem:s18], [sflag:$0x1] =	stream.linear.gather [hbm4b:s17+s7], $0x3E80, $0x38;
	[tilespmem:$0x1F000] =	vst v63  }
0x2c: {  	s16 =	simm.s32 $0x3C0;
	s7 =	simm.s32 $0x70  }
.LBB2_2:
0x2d: {  	p1 =	sne.s32 s16, $0x13FC0;
	[tilespmem:s7+$0x6780] =	vst v0  }
0x2e: {  	[tilespmem:s7+$0x6710] =	vst v0  }
0x2f: {  	[tilespmem:s7+$0x6720] =	vst v0  }
.Ltmp0:
0x30: {  	[tilespmem:s7+$0x6730] =	vst v0;
	(pc) =	sbr.rel @p1 .LBB2_2-.Ltmp0, $4  }
0x31: {  	[tilespmem:s7+$0x6740] =	vst v0  }
0x32: {  	[tilespmem:s7+$0x6750] =	vst v0  }
0x33: {  	[tilespmem:s7+$0x6760] =	vst v0  }
0x34: {  	[tilespmem:s7+$0x6770] =	vst v0;
	s7 =	sshra.s32 s16, $0x2;
	s16 =	sadd.s32 $0x200, s16  }
0x35: {  	[tilespmem:s7+$0x6780] =	vst v0  }
0x36: {  	[tilespmem:s7+$0x6710] =	vst v0  }
0x37: {  	[tilespmem:s7+$0x6720] =	vst v0  }
0x38: {  	[tilespmem:s7+$0x6730] =	vst v0  }
0x39: {  	[tilespmem:s7+$0x6740] =	vst v0  }
0x3a: {  	[tilespmem:s7+$0x6750] =	vst v0  }
0x3b: {  	[tilespmem:s7+$0x6760] =	vst v0  }
0x3c: {  	[tilespmem:s7+$0x6770] =	vst v0  }
0x3d: {  	[spmem:s8] =	stream.linear.scatter [tilespmem:s28], [sflag:$0x5], $0x2800, $0x38;
	[tilespmem:$0x1F000] =	vst v63  }
0x3e: {  	_ =	swait.ge [sflag:s29], $0x2800  }
0x3f: {  	[sflag:s29] =	ssyncset.done $0x0  }
0x40: {  	[sflag:s29] =	ssyncadd.s32 $0xFFFFD800  }
0x41: {  	[spmem:s9] =	stream.linear.scatter [tilespmem:s28], [sflag:$0x5], $0x2800, $0x38;
	[tilespmem:$0x1F000] =	vst v63  }
0x42: {  	_ =	swait.ge [sflag:s29], $0x2800  }
0x43: {  	[sflag:s29] =	ssyncset.done $0x0  }
0x44: {  	[sflag:s29] =	ssyncadd.s32 $0xFFFFD800  }
0x45: {  	[spmem:s10] =	stream.linear.scatter [tilespmem:s28], [sflag:$0x5], $0x2800, $0x38;
	[tilespmem:$0x1F000] =	vst v63  }
0x46: {  	_ =	swait.ge [sflag:s29], $0x2800  }
0x47: {  	[sflag:s29] =	ssyncset.done $0x0  }
0x48: {  	[sflag:s29] =	ssyncadd.s32 $0xFFFFD800  }
0x49: {  	[spmem:s11] =	stream.linear.scatter [tilespmem:s28], [sflag:$0x5], $0x2800, $0x38;
	[tilespmem:$0x1F000] =	vst v63  }
0x4a: {  	_ =	swait.ge [sflag:s29], $0x2800  }
0x4b: {  	[sflag:s29] =	ssyncset.done $0x0  }
0x4c: {  	[sflag:s29] =	ssyncadd.s32 $0xFFFFD800  }
0x4d: {  	[spmem:s12] =	stream.linear.scatter [tilespmem:s28], [sflag:$0x5], $0x2800, $0x38;
	[tilespmem:$0x1F000] =	vst v63  }
0x4e: {  	_ =	swait.ge [sflag:s29], $0x2800  }
0x4f: {  	[sflag:s29] =	ssyncset.done $0x0  }
0x50: {  	[sflag:s29] =	ssyncadd.s32 $0xFFFFD800  }
0x51: {  	[spmem:s13] =	stream.linear.scatter [tilespmem:s28], [sflag:$0x5], $0x2800, $0x38;
	[tilespmem:$0x1F000] =	vst v63  }
0x52: {  	_ =	swait.ge [sflag:s29], $0x2800  }
0x53: {  	[sflag:s29] =	ssyncset.done $0x0  }
0x54: {  	[sflag:s29] =	ssyncadd.s32 $0xFFFFD800  }
0x55: {  	[spmem:s14] =	stream.linear.scatter [tilespmem:s28], [sflag:$0x5], $0x2800, $0x38;
	[tilespmem:$0x1F000] =	vst v63  }
0x56: {  	_ =	swait.ge [sflag:s29], $0x2800  }
0x57: {  	[sflag:s29] =	ssyncset.done $0x0  }
0x58: {  	s7 =	simm.s32 @!p0 $0x6780;
	[sflag:s29] =	ssyncadd.s32 $0xFFFFD800  }
0x59: {  	[spmem:s15] =	stream.linear.scatter @!p0 [tilespmem:s7], [sflag:$0x5], $0x2800, $0x38;
	[tilespmem:$0x1F000] =	vst v63  }
0x5a: {  	s7 =	simm.s32 @!p0 $0x5  }
0x5b: {  	_ =	swait.ge @!p0 [sflag:s7], $0x2800  }
0x5c: {  	[sflag:s7] =	ssyncset.done @!p0 $0x0  }
0x5d: {  	[sflag:s7] =	ssyncadd.s32 @!p0 $0xFFFFD800  }
0x5e: {  	_ =	swait.ge [sflag:s30], $0x2780  }
0x5f: {  	[sflag:s30] =	ssyncset.done $0x0  }
0x60: {  	[sflag:s30] =	ssyncadd.s32 $0xFFFFD880  }
0x61: {  	_ =	swait.ge [sflag:s30], $0x3E80  }
0x62: {  	[sflag:s30] =	ssyncset.done $0x0  }
0x63: {  	[sflag:s30] =	ssyncadd.s32 $0xFFFFC180  }
0x64: {  	s18 =	simm.s32 $0x0;
	[bflag:$0x0] =	sbarrier.arrive $0xFFFF  }
0x65: {  	[tilespmem:s28], [sflag:$0x1] =	stream.indirect.gather [hbm4b:s1+s31], $0x80, s18, s31, $0xb8;
	[tilespmem:$0x1F000] =	vst v63  }
0x66: {  	_ = 	snop  }
0x67: {  	[tilespmem:s2], [sflag:$0x2] =	stream.indirect.gather [hbm4b:s1+s31], $0x80, s31, s31, $0xb8;
	[tilespmem:$0x1F000] =	vst v63  }
0x68: {  	_ = 	snop  }
0x69: {  	[tilespmem:s25], [sflag:$0x3] =	stream.indirect.gather [hbm4b:s1+s31], $0x80, s24, s31, $0xb8;
	[tilespmem:$0x1F000] =	vst v63  }
0x6a: {  	s16 =	simm.s32 $0x78  }
0x6b: {  	[tilespmem:s26], [sflag:$0x4] =	stream.indirect.gather [hbm4b:s1+s31], $0x80, s16, s31, $0xb8;
	[tilespmem:$0x1F000] =	vst v63  }
0x6c: {  	_ =	swait.ge [sflag:s30], $0x1400  }
0x6d: {  	[sflag:s30] =	ssyncset.done $0x0  }
0x6e: {  	[sflag:s30] =	ssyncadd.s32 $0xFFFFEC00  }
0x6f: {  	_ =	swait.ge [sflag:s0], $0x1400  }
0x70: {  	[sflag:s0] =	ssyncset.done $0x0  }
0x71: {  	s17 =	simm.s32 $0x2780;
	[sflag:s0] =	ssyncadd.s32 $0xFFFFEC00  }
0x72: {  	[spmem:s3] =	stream.indirect.scatter.add.f32 [tilespmem:s28], [sflag:$0x5], $0x80, s17, s24, $0xb8;
	[tilespmem:$0x1F000] =	vst v63  }
0x73: {  	_ =	swait.ge [sflag:s29], $0x2800  }
0x74: {  	[sflag:s29] =	ssyncset.done $0x0  }
0x75: {  	s18 =	simm.s32 $0xA0;
	[sflag:s29] =	ssyncadd.s32 $0xFFFFD800  }
0x76: {  	[tilespmem:s28], [sflag:$0x1] =	stream.indirect.gather [hbm4b:s1+s31], $0x80, s18, s31, $0xb8;
	[tilespmem:$0x1F000] =	vst v63  }
0x77: {  	s16 =	simm.s32 $0xC8  }
0x78: {  	[tilespmem:s2], [sflag:$0x2] =	stream.indirect.gather [hbm4b:s1+s31], $0x80, s16, s31, $0xb8;
	[tilespmem:$0x1F000] =	vst v63  }
0x79: {  	_ =	swait.ge [sflag:s4], $0x1400  }
0x7a: {  	[sflag:s4] =	ssyncset.done $0x0  }
0x7b: {  	[sflag:s4] =	ssyncadd.s32 $0xFFFFEC00  }
0x7c: {  	_ =	swait.ge [sflag:s5], $0x1400  }
0x7d: {  	[sflag:s5] =	ssyncset.done $0x0  }
0x7e: {  	s17 =	simm.s32 $0x2800;
	[sflag:s5] =	ssyncadd.s32 $0xFFFFEC00  }
0x7f: {  	[spmem:s3] =	stream.indirect.scatter.add.f32 [tilespmem:s25], [sflag:$0x5], $0x80, s17, s24, $0xb8;
	[tilespmem:$0x1F000] =	vst v63  }
0x80: {  	_ =	swait.ge [sflag:s29], $0x2800  }
0x81: {  	s7 =	simm.s32 $0x280;
	s18 =	simm.s32 $0xF0;
	[sflag:s29] =	ssyncset.done $0x0  }
0x82: {  	s16 =	simm.s32 $0x2900;
	s17 =	simm.s32 $0x118;
	[sflag:s29] =	ssyncadd.s32 $0xFFFFD800  }
0x83: {  	[tilespmem:s25], [sflag:$0x3] =	stream.indirect.gather [hbm4b:s1+s31], $0x80, s18, s31, $0xb8;
	[tilespmem:$0x1F000] =	vst v63  }
.LBB2_4:
0x84: {  	[tilespmem:s26], [sflag:$0x4] =	stream.indirect.gather [hbm4b:s1+s31], $0x80, s17, s31, $0xb8;
	[tilespmem:$0x1F000] =	vst v63  }
0x85: {  	s17 =	smov.u32 s7  }
0x86: {  	p1 =	sne.s32 s7, $0x9600;
	s7 =	sadd.s32 $0x280, s7;
	_ =	swait.ge [sflag:s30], $0x1400  }
0x87: {  	[sflag:s30] =	ssyncset.done $0x0  }
0x88: {  	[sflag:s30] =	ssyncadd.s32 $0xFFFFEC00  }
0x89: {  	_ =	swait.ge [sflag:s0], $0x1400  }
0x8a: {  	[sflag:s0] =	ssyncset.done $0x0  }
0x8b: {  	s18 =	sadd.s32 $0xFFFFFF80, s16;
	[sflag:s0] =	ssyncadd.s32 $0xFFFFEC00  }
0x8c: {  	[spmem:s3] =	stream.indirect.scatter.add.f32 [tilespmem:s28], [sflag:$0x5], $0x80, s18, s24, $0xb8;
	[tilespmem:$0x1F000] =	vst v63  }
0x8d: {  	_ =	swait.ge [sflag:s29], $0x2800  }
0x8e: {  	s17 =	sshra.s32 s17, $0x2;
	[sflag:s29] =	ssyncset.done $0x0  }
0x8f: {  	s18 =	sadd.s32 $0xA0, s17;
	[sflag:s29] =	ssyncadd.s32 $0xFFFFD800  }
0x90: {  	[tilespmem:s28], [sflag:$0x1] =	stream.indirect.gather [hbm4b:s1+s31], $0x80, s18, s31, $0xb8;
	[tilespmem:$0x1F000] =	vst v63  }
0x91: {  	s18 =	sadd.s32 $0xC8, s17  }
0x92: {  	[tilespmem:s2], [sflag:$0x2] =	stream.indirect.gather [hbm4b:s1+s31], $0x80, s18, s31, $0xb8;
	[tilespmem:$0x1F000] =	vst v63  }
0x93: {  	_ =	swait.ge [sflag:s4], $0x1400  }
0x94: {  	[sflag:s4] =	ssyncset.done $0x0  }
0x95: {  	[sflag:s4] =	ssyncadd.s32 $0xFFFFEC00  }
0x96: {  	_ =	swait.ge [sflag:s5], $0x1400  }
0x97: {  	[sflag:s5] =	ssyncset.done $0x0  }
0x98: {  	[sflag:s5] =	ssyncadd.s32 $0xFFFFEC00  }
0x99: {  	[spmem:s3] =	stream.indirect.scatter.add.f32 [tilespmem:s25], [sflag:$0x5], $0x80, s16, s24, $0xb8;
	[tilespmem:$0x1F000] =	vst v63  }
.Ltmp1:
0x9a: {  	_ =	swait.ge [sflag:s29], $0x2800;
	(pc) =	sbr.rel @p1 .LBB2_4-.Ltmp1, $4  }
0x9b: {  	[sflag:s29] =	ssyncset.done $0x0  }
0x9c: {  	s18 =	sadd.s32 $0xF0, s17;
	[sflag:s29] =	ssyncadd.s32 $0xFFFFD800  }
0x9d: {  	[tilespmem:s25], [sflag:$0x3] =	stream.indirect.gather [hbm4b:s1+s31], $0x80, s18, s31, $0xb8;
	[tilespmem:$0x1F000] =	vst v63  }
0x9e: {  	s17 =	sadd.s32 $0x118, s17;
	s16 =	sadd.s32 $0x100, s16  }
0x9f: {  	[tilespmem:s26], [sflag:$0x4] =	stream.indirect.gather [hbm4b:s1+s31], $0x80, s17, s31, $0xb8;
	[tilespmem:$0x1F000] =	vst v63  }
0xa0: {  	_ =	swait.ge [sflag:s30], $0x1400  }
0xa1: {  	[sflag:s30] =	ssyncset.done $0x0  }
0xa2: {  	[sflag:s30] =	ssyncadd.s32 $0xFFFFEC00  }
0xa3: {  	_ =	swait.ge [sflag:s0], $0x1400  }
0xa4: {  	[sflag:s0] =	ssyncset.done $0x0  }
0xa5: {  	s7 =	simm.s32 $0x6480;
	[sflag:s0] =	ssyncadd.s32 $0xFFFFEC00  }
0xa6: {  	[spmem:s3] =	stream.indirect.scatter.add.f32 [tilespmem:s28], [sflag:$0x5], $0x80, s7, s24, $0xb8;
	[tilespmem:$0x1F000] =	vst v63  }
0xa7: {  	_ =	swait.ge [sflag:s29], $0x2800  }
0xa8: {  	[sflag:s29] =	ssyncset.done $0x0  }
0xa9: {  	s16 =	simm.s32 $0x26C0;
	[sflag:s29] =	ssyncadd.s32 $0xFFFFD800  }
0xaa: {  	[tilespmem:s28], [sflag:$0x1] =	stream.indirect.gather [hbm4b:s1+s31], $0x80, s16, s31, $0xb8;
	[tilespmem:$0x1F000] =	vst v63  }
0xab: {  	s17 =	simm.s32 $0x26E8  }
0xac: {  	[tilespmem:s2], [sflag:$0x2] =	stream.indirect.gather [hbm4b:s1+s31], $0x80, s17, s31, $0xb8;
	[tilespmem:$0x1F000] =	vst v63  }
0xad: {  	_ =	swait.ge [sflag:s4], $0x1400  }
0xae: {  	[sflag:s4] =	ssyncset.done $0x0  }
0xaf: {  	[sflag:s4] =	ssyncadd.s32 $0xFFFFEC00  }
0xb0: {  	_ =	swait.ge [sflag:s5], $0x1400  }
0xb1: {  	[sflag:s5] =	ssyncset.done $0x0  }
0xb2: {  	s18 =	simm.s32 $0x6500;
	[sflag:s5] =	ssyncadd.s32 $0xFFFFEC00  }
0xb3: {  	[spmem:s3] =	stream.indirect.scatter.add.f32 [tilespmem:s25], [sflag:$0x5], $0x80, s18, s24, $0xb8;
	[tilespmem:$0x1F000] =	vst v63  }
0xb4: {  	_ =	swait.ge [sflag:s29], $0x2800  }
0xb5: {  	[sflag:s29] =	ssyncset.done $0x0  }
0xb6: {  	[sflag:s29] =	ssyncadd.s32 $0xFFFFD800  }
0xb7: {  	_ =	swait.ge [sflag:s30], $0x1400  }
0xb8: {  	[sflag:s30] =	ssyncset.done $0x0  }
0xb9: {  	[sflag:s30] =	ssyncadd.s32 $0xFFFFEC00  }
0xba: {  	_ =	swait.ge [sflag:s0], $0x1400  }
0xbb: {  	[sflag:s0] =	ssyncset.done $0x0  }
0xbc: {  	s16 =	simm.s32 $0x6580;
	[sflag:s0] =	ssyncadd.s32 $0xFFFFEC00  }
0xbd: {  	[spmem:s3] =	stream.indirect.scatter.add.f32 [tilespmem:s28], [sflag:$0x5], $0x80, s16, s24, $0xb8;
	[tilespmem:$0x1F000] =	vst v63  }
0xbe: {  	_ =	swait.ge [sflag:s29], $0x2800  }
0xbf: {  	[sflag:s29] =	ssyncset.done $0x0  }
0xc0: {  	s17 =	stileid.u32;
	[sflag:s29] =	ssyncadd.s32 $0xFFFFD800  }
0xc1: {  	s7 =	sshll.u32 s17, $0x6;
	[bflag:$0x0] =	sbarrier.arrive $0xFFFF  }
0xc2: {  	s7 =	sor.u32 $0x1C05, s7;
	s16 =	sshrl.u32 s8, $0x3;
	s18 =	rddreg [dreg:$0x7]  }
0xc3: {  	[hbm:s18], [sflag:s7] =	dma.local [spmem:s16], $0x500  }
0xc4: {  	_ =	swait.ge [sflag:s29], $0x500  }
0xc5: {  	[sflag:s29] =	ssyncset.done $0x0  }
0xc6: {  	s17 =	sshrl.u32 s9, $0x3;
	s18 =	rddreg [dreg:$0x8];
	[sflag:s29] =	ssyncadd.s32 $0xFFFFFB00  }
0xc7: {  	[hbm:s18], [sflag:s7] =	dma.local [spmem:s17], $0x500  }
0xc8: {  	_ =	swait.ge [sflag:s29], $0x500  }
0xc9: {  	[sflag:s29] =	ssyncset.done $0x0  }
0xca: {  	s17 =	sshrl.u32 s10, $0x3;
	s18 =	rddreg [dreg:$0x9];
	[sflag:s29] =	ssyncadd.s32 $0xFFFFFB00  }
0xcb: {  	[hbm:s18], [sflag:s7] =	dma.local [spmem:s17], $0x500  }
0xcc: {  	_ =	swait.ge [sflag:s29], $0x500  }
0xcd: {  	[sflag:s29] =	ssyncset.done $0x0  }
0xce: {  	s18 =	sshrl.u32 s11, $0x3;
	[sflag:s29] =	ssyncadd.s32 $0xFFFFFB00  }
0xcf: {  	[hbm:s19], [sflag:s7] =	dma.local [spmem:s18], $0x500  }
0xd0: {  	_ =	swait.ge [sflag:s29], $0x500  }
0xd1: {  	[sflag:s29] =	ssyncset.done $0x0  }
0xd2: {  	s17 =	sshrl.u32 s12, $0x3;
	[sflag:s29] =	ssyncadd.s32 $0xFFFFFB00  }
0xd3: {  	[hbm:s20], [sflag:s7] =	dma.local [spmem:s17], $0x500  }
0xd4: {  	_ =	swait.ge [sflag:s29], $0x500  }
0xd5: {  	[sflag:s29] =	ssyncset.done $0x0  }
0xd6: {  	s18 =	sshrl.u32 s13, $0x3;
	[sflag:s29] =	ssyncadd.s32 $0xFFFFFB00  }
0xd7: {  	[hbm:s21], [sflag:s7] =	dma.local [spmem:s18], $0x500  }
0xd8: {  	_ =	swait.ge [sflag:s29], $0x500  }
0xd9: {  	[sflag:s29] =	ssyncset.done $0x0  }
0xda: {  	s17 =	sshrl.u32 s14, $0x3;
	[sflag:s29] =	ssyncadd.s32 $0xFFFFFB00  }
0xdb: {  	[hbm:s22], [sflag:s7] =	dma.local [spmem:s17], $0x500  }
0xdc: {  	_ =	swait.ge [sflag:s29], $0x500  }
0xdd: {  	[sflag:s29] =	ssyncset.done $0x0  }
0xde: {  	s16 =	sshrl.u32 @!p0 s15, $0x3;
	[sflag:s29] =	ssyncadd.s32 $0xFFFFFB00  }
0xdf: {  	[hbm:s23], [sflag:s7] =	dma.local @!p0 [spmem:s16], $0x500  }
0xe0: {  	s7 =	simm.s32 @!p0 $0x5  }
0xe1: {  	_ =	swait.ge @!p0 [sflag:s7], $0x500  }
0xe2: {  	s6 =	sadd.s32 $0x1, s6;
	s18 =	rddreg [dreg:$0x6]  }
0xe3: {  	p1 =	sne.s32 s6, s18  }
.Ltmp2:
0xe4: {  	_ = 	snop;
	(pc) =	sbr.rel @p1 .LBB2_1-.Ltmp2, $3  }
0xe5: {  	_ =	sdelay $0x1  }
0xe6: {  	[sflag:s7] =	ssyncset.done @!p0 $0x0  }
0xe7: {  	[sflag:s7] =	ssyncadd.s32 @!p0 $0xFFFFFB00  }
0xe8: {  	_ =	sfence.sel $0x180000  }
0xe9: {  	[bflag:$0x0] =	sbarrier.arrive $0xFFFF  }
0xea: {  	_ =	strace $0x9000004A  }
0xeb: {  	s0 =	stileid.u32;
	[bflag:$0x2] =	sbarrier.arrive $0xFFFF  }
0xec: {  	p0 =	sne.s32 s0, $0x0;
	s0 =	rddreg [dreg:$0x3]  }
0xed: {  	s0 =	sadd.s32 @!p0 $0x100000, s0  }
0xee: {  	[sflag:s0] =	ssyncadd.tile.s32 @!p0 $0x1;
	_ =	shalt  }
.Lfunc_end2:
_tile_overlayer_lowered:
.L_overlay_start_2:
0xef: {  	(tag) =	ssettag $0x2  }
0xf0: {  	s0 =	rddreg [dreg:$0x0];
	s2 =	stileid.u32  }
0xf1: {  	s1 =	rddreg [dreg:$0x1];
	p0 =	sne.s32 s2, $0x0  }
0xf2: {  	s3 =	rddreg [dreg:$0x2];
	[bflag:$0x3] =	sbarrier.arrive $0xFFFF;
	s2 =	simm.s32 @!p0 $0x1C05  }
0xf3: {  	[timem:s3], [sflag:s2] =	dma.local @!p0 [hbm:s0], s1  }
0xf4: {  	s0 =	simm.s32 @!p0 $0x5  }
0xf5: {  	_ =	swait.ge @!p0 [sflag:s0], s1  }
0xf6: {  	s1 =	ssub.s32 @!p0 $0x0, s1;
	[sflag:s0] =	ssyncset.done @!p0 $0x0  }
0xf7: {  	[sflag:s0] =	ssyncadd.s32 @!p0 s1  }
0xf8: {  	[bflag:$0x3] =	sbarrier.arrive $0xFFFF  }
0xf9: {  	_ =	shalt  }

</sc_bundles>
